<compile_context>
chip_gen: v7x
topology: tpu7x:2x2x1
jax: 0.10.2.dev20260603
libtpu: 0.0.44.dev20260713+nightly
codegen_flags: <defaults>
</compile_context>

<pallas_src>
import functools

import jax
import jax.numpy as jnp
from jax import lax
from jax.experimental import pallas as pl
from jax.experimental.pallas import tpu as pltpu
from jax.experimental.pallas import tpu_sc as plsc

L = 16
NC = 2
NS = 16
NW = NC * NS
CHUNK = 128


def _cdiv(a, b):
    return (a + b - 1) // b


def _deg_body(np_pad, cpt, dst_hbm, deg_out, dst_v, ones_v, z_v, deg_sh):
    c = lax.axis_index("c")
    s = lax.axis_index("s")
    wid = c * NS + s
    rpt = np_pad // NS

    def zrow(i, _):
        z_v[pl.ds(i * L, L)] = jnp.zeros((L,), jnp.float32)
        return 0
    lax.fori_loop(0, rpt // L, zrow, 0)
    for k in range(CHUNK // L):
        ones_v[pl.ds(k * L, L)] = jnp.ones((L,), jnp.float32)

    pltpu.sync_copy(z_v, deg_sh.at[pl.ds(s * rpt, rpt)])
    plsc.subcore_barrier()

    pltpu.sync_copy(dst_hbm.at[wid], dst_v)

    def body(i, _):
        pltpu.sync_copy(ones_v, deg_sh.at[dst_v.at[i]], add=True)
        return 0
    lax.fori_loop(0, cpt, body, 0)

    plsc.subcore_barrier()
    pltpu.sync_copy(deg_sh.at[pl.ds(s * rpt, rpt)],
                    deg_out.at[c, pl.ds(s * rpt, rpt)])


def _seg_body(np_pad, cpt, hp_hbm, src_hbm, dst_hbm, acc_out,
              src_v, dst_v, rows_v, acc_sh, sem):
    c = lax.axis_index("c")
    s = lax.axis_index("s")
    wid = c * NS + s
    rpt = np_pad // NS

    def zrow(i, _):
        for k in range(8):
            rows_v[i, pl.ds(k * L, L)] = jnp.zeros((L,), jnp.float32)
        return 0
    lax.fori_loop(0, CHUNK, zrow, 0)

    def zcopy(j, _):
        pltpu.sync_copy(rows_v, acc_sh.at[pl.ds(s * rpt + j * CHUNK, CHUNK), :])
        return 0
    lax.fori_loop(0, rpt // CHUNK, zcopy, 0)
    plsc.subcore_barrier()

    pltpu.sync_copy(src_hbm.at[wid], src_v)
    pltpu.sync_copy(dst_hbm.at[wid], dst_v)

    def body(i, _):
        pltpu.async_copy(hp_hbm.at[src_v.at[i]], rows_v, sem).wait()
        pltpu.sync_copy(rows_v, acc_sh.at[dst_v.at[i]], add=True)
        return 0
    lax.fori_loop(0, cpt, body, 0)

    plsc.subcore_barrier()
    pltpu.sync_copy(acc_sh.at[pl.ds(s * rpt, rpt), :],
                    acc_out.at[c, pl.ds(s * rpt, rpt), :])


def _prep_body(x_ref, w1_ref, degt_ref, hp_ref, dis_ref):
    deg = degt_ref[:, 0:1] + degt_ref[:, 1:2] + 1.0
    dis = lax.rsqrt(jnp.maximum(deg, 1e-12))
    h = jnp.dot(x_ref[...], w1_ref[...], preferred_element_type=jnp.float32)
    hp_ref[...] = h * dis
    dis_ref[...] = dis


def _out_body(acc_ref, hp_ref, dis_ref, b1_ref, wmu_ref, wls_ref, epsw_ref,
              bmu_ref, bls_ref, epsb_ref, out_ref):
    t = acc_ref[0] + acc_ref[1] + hp_ref[...]
    pre = t * dis_ref[...] + b1_ref[...]
    hr = jnp.maximum(pre, 0.0)
    w = wmu_ref[...] + jnp.exp(wls_ref[...]) * epsw_ref[...]
    b = bmu_ref[...] + jnp.exp(bls_ref[...]) * epsb_ref[...]
    logits = lax.dot_general(hr, w, (((1,), (1,)), ((), ())),
                             preferred_element_type=jnp.float32) + b
    m = jnp.max(logits, axis=1, keepdims=True)
    ex = jnp.exp(logits - m)
    lse = m + jnp.log(jnp.sum(ex, axis=1, keepdims=True))
    out_ref[...] = logits - lse


def kernel(x, edge_index, W1, b1, w_mu, w_log_sigma, eps_w, b_mu, b_log_sigma,
           eps_b):
    n, d = x.shape
    h = W1.shape[1]
    cls = w_mu.shape[0]
    e = edge_index.shape[1]

    np_pad = _cdiv(n + 1, NS * L) * NS * L
    ep = _cdiv(e, NW * CHUNK) * NW * CHUNK
    cpt = ep // (NW * CHUNK)
    rblk = 1024
    nblk = np_pad // rblk if np_pad % rblk == 0 else _cdiv(np_pad, rblk)
    rblk = np_pad // nblk
    assert np_pad % nblk == 0 and rblk % 8 == 0

    src = edge_index[0]
    dst = edge_index[1]
    pad_e = ep - e
    srcp = jnp.concatenate([src, jnp.zeros((pad_e,), jnp.int32)])
    dstp = jnp.concatenate([dst, jnp.full((pad_e,), n, jnp.int32)])
    src3 = srcp.reshape(NW, cpt, CHUNK)
    dst3 = dstp.reshape(NW, cpt, CHUNK)
    x_pad = jnp.concatenate([x, jnp.zeros((np_pad - n, d), jnp.float32)])

    mesh = plsc.VectorSubcoreMesh(core_axis_name="c", subcore_axis_name="s")

    deg_part = pl.kernel(
        functools.partial(_deg_body, np_pad, cpt),
        out_type=jax.ShapeDtypeStruct((NC, np_pad), jnp.float32),
        mesh=mesh,
        scratch_types=[
            pltpu.VMEM((cpt, CHUNK), jnp.int32),
            pltpu.VMEM((CHUNK,), jnp.float32),
            pltpu.VMEM((np_pad // NS,), jnp.float32),
            pltpu.VMEM_SHARED((np_pad,), jnp.float32),
        ],
    )(dst3)

    degt = deg_part.T
    hp, dis = pl.pallas_call(
        _prep_body,
        grid=(nblk,),
        in_specs=[
            pl.BlockSpec((rblk, d), lambda i: (i, 0)),
            pl.BlockSpec((d, h), lambda i: (0, 0)),
            pl.BlockSpec((rblk, NC), lambda i: (i, 0)),
        ],
        out_specs=[
            pl.BlockSpec((rblk, h), lambda i: (i, 0)),
            pl.BlockSpec((rblk, 1), lambda i: (i, 0)),
        ],
        out_shape=[
            jax.ShapeDtypeStruct((np_pad, h), jnp.float32),
            jax.ShapeDtypeStruct((np_pad, 1), jnp.float32),
        ],
    )(x_pad, W1, degt)

    acc_part = pl.kernel(
        functools.partial(_seg_body, np_pad, cpt),
        out_type=jax.ShapeDtypeStruct((NC, np_pad, h), jnp.float32),
        mesh=mesh,
        scratch_types=[
            pltpu.VMEM((cpt, CHUNK), jnp.int32),
            pltpu.VMEM((cpt, CHUNK), jnp.int32),
            pltpu.VMEM((CHUNK, h), jnp.float32),
            pltpu.VMEM_SHARED((np_pad, h), jnp.float32),
            pltpu.SemaphoreType.DMA,
        ],
    )(hp, src3, dst3)

    out_pad = pl.pallas_call(
        _out_body,
        grid=(nblk,),
        in_specs=[
            pl.BlockSpec((NC, rblk, h), lambda i: (0, i, 0)),
            pl.BlockSpec((rblk, h), lambda i: (i, 0)),
            pl.BlockSpec((rblk, 1), lambda i: (i, 0)),
            pl.BlockSpec((1, h), lambda i: (0, 0)),
            pl.BlockSpec((cls, h), lambda i: (0, 0)),
            pl.BlockSpec((cls, h), lambda i: (0, 0)),
            pl.BlockSpec((cls, h), lambda i: (0, 0)),
            pl.BlockSpec((1, cls), lambda i: (0, 0)),
            pl.BlockSpec((1, cls), lambda i: (0, 0)),
            pl.BlockSpec((1, cls), lambda i: (0, 0)),
        ],
        out_specs=pl.BlockSpec((rblk, cls), lambda i: (i, 0)),
        out_shape=jax.ShapeDtypeStruct((np_pad, cls), jnp.float32),
    )(acc_part, hp, dis, b1.reshape(1, h), w_mu, w_log_sigma, eps_w,
      b_mu.reshape(1, cls), b_log_sigma.reshape(1, cls),
      eps_b.reshape(1, cls))

    return out_pad[:n]

# --- scband reference (transcript-rebuilt; emitter-appended) ---
"""Pipeline reference for scband-bayesian-gcn-13228499272210 (READ-ONLY COPY).

The authoritative reference and input builder live on the scoring server;
editing this copy changes nothing except your own understanding.
"""

import jax, jax.numpy as jnp
import numpy as np

N = 10000
E = 320000
D = 128
H = 128
C = 16


def setup_inputs(seed: int = 0) -> dict:
    key = jax.random.key(seed)
    ks = jax.random.split(key, 10)
    x = jax.random.normal(ks[0], (N, D), dtype=jnp.float32)
    edge_index = jax.random.randint(ks[1], (2, E), 0, N, dtype=jnp.int32)
    W1 = jax.random.normal(ks[2], (D, H), dtype=jnp.float32) * (1.0 / np.sqrt(D))
    b1 = jnp.zeros((H,), dtype=jnp.float32)
    # Bayesian linear layer params (prior_mu=0, prior_sigma=0.1): weight = mu + exp(log_sigma) * eps
    w_mu = jax.random.normal(ks[3], (C, H), dtype=jnp.float32) * (1.0 / np.sqrt(H))
    w_log_sigma = jnp.full((C, H), jnp.log(0.1), dtype=jnp.float32)
    eps_w = jax.random.normal(ks[4], (C, H), dtype=jnp.float32)
    b_mu = jnp.zeros((C,), dtype=jnp.float32)
    b_log_sigma = jnp.full((C,), jnp.log(0.1), dtype=jnp.float32)
    eps_b = jax.random.normal(ks[5], (C,), dtype=jnp.float32)
    return {"x": x, "edge_index": edge_index, "W1": W1, "b1": b1,
            "w_mu": w_mu, "w_log_sigma": w_log_sigma, "eps_w": eps_w,
            "b_mu": b_mu, "b_log_sigma": b_log_sigma, "eps_b": eps_b}


def _gcn_conv(x, edge_index, W, b):
    n = x.shape[0]
    src = edge_index[0]
    dst = edge_index[1]
    loop = jnp.arange(n, dtype=src.dtype)
    src = jnp.concatenate([src, loop])
    dst = jnp.concatenate([dst, loop])
    deg = jnp.zeros((n,), dtype=x.dtype).at[dst].add(1.0)
    dis = jax.lax.rsqrt(jnp.maximum(deg, 1e-12))
    norm = dis[src] * dis[dst]
    h = x @ W
    msg = h[src] * norm[:, None]
    out = jnp.zeros_like(h).at[dst].add(msg)
    return out + b


def reference(x, edge_index, W1, b1, w_mu, w_log_sigma, eps_w, b_mu, b_log_sigma, eps_b):
    h = _gcn_conv(x, edge_index, W1, b1)
    h = jax.nn.relu(h)
    # dropout: identity in eval mode (training=False)
    W = w_mu + jnp.exp(w_log_sigma) * eps_w
    b = b_mu + jnp.exp(b_log_sigma) * eps_b
    logits = h @ W.T + b
    return jax.nn.log_softmax(logits, axis=1)

if __name__ == "__main__":
    import jax
    _d = setup_inputs()
    print(jax.jit(kernel)(*tuple(_d.values())))

</pallas_src>

<mosaic_0001>
#map = affine_map<(d0, d1) -> (0, 0, 0)>
#map1 = affine_map<(d0, d1) -> (0, 0)>
module attributes {stable_mosaic.version = 14 : i64} {
  func.func @_deg_body(%arg0: i32, %arg1: i32, %arg2: memref<32x79x128xi32, #tpu.memory_space<hbm>>, %arg3: memref<2x10240xf32, #tpu.memory_space<hbm>>, %arg4: memref<79x128xi32, #tpu.memory_space<vmem>>, %arg5: memref<128xf32, #tpu.memory_space<vmem>>, %arg6: memref<640xf32, #tpu.memory_space<vmem>>, %arg7: memref<10240xf32, #tpu.memory_space<vmem_shared>>) attributes {dimension_semantics = [#tpu.dimension_semantics<core_parallel>, #tpu.dimension_semantics<subcore_parallel>], iteration_bounds = array<i64: 2, 16>, scalar_prefetch = 0 : i64, scratch_operands = 4 : i64, tpu.core_type = #tpu.core_type<sc_vector_subcore>, window_params = [{transform_indices = #map}, {transform_indices = #map1}]} {
    %mul3A = arith.constant 16 : i32
    %mul3A_0 = arith.muli %arg0, %mul3A : i32
    %add3A = arith.addi %mul3A_0, %arg1 : i32
    %scan3A = arith.constant 0 : i32
    %scan3A_1 = arith.constant 0 : i32
    %scan3A_2 = arith.constant 40 : i32
    %scan3A_3 = arith.addi %scan3A_1, %scan3A_2 : i32
    %scan3A_4 = arith.constant 1 : i32
    %scan3A_5 = scf.for %scan3A_67 = %scan3A_1 to %scan3A_3 step %scan3A_4 iter_args(%scan3A_68 = %scan3A) -> (i32)  : i32 {
      %broadcast_in_dim3A_69 = arith.constant 0.000000e+00 : f32
      %broadcast_in_dim3A_70 = vector.broadcast %broadcast_in_dim3A_69 : f32 to vector<16xf32>
      %mul3A_71 = arith.constant 16 : i32
      %mul3A_72 = arith.muli %scan3A_67, %mul3A_71 : i32
      %swap3A_73 = arith.index_cast %mul3A_72 : i32 to index
      %swap3A_74 = tpu.vector_load %arg6[%swap3A_73] {strides = array<i32>} : memref<640xf32, #tpu.memory_space<vmem>>, vector<16xf32>,
      %swap3A_75 = vector.shape_cast %swap3A_74 : vector<16xf32> to vector<16xf32>
      %swap3A_76 = vector.shape_cast %broadcast_in_dim3A_70 : vector<16xf32> to vector<16xf32>
      tpu.vector_store %arg6[%swap3A_73], %swap3A_76 {strides = array<i32>} : memref<640xf32, #tpu.memory_space<vmem>>, vector<16xf32>,
      %scan3A_77 = arith.constant 0 : i32
      scf.yield %scan3A_77 : i32
    }
    %scan3A_6 = arith.constant 40 : i32
    %broadcast_in_dim3A = arith.constant 1.000000e+00 : f32
    %broadcast_in_dim3A_7 = vector.broadcast %broadcast_in_dim3A : f32 to vector<16xf32>
    %swap3A = arith.constant 0 : index
    %swap3A_8 = tpu.vector_load %arg5[%swap3A] {strides = array<i32>} : memref<128xf32, #tpu.memory_space<vmem>>, vector<16xf32>,
    %swap3A_9 = vector.shape_cast %swap3A_8 : vector<16xf32> to vector<16xf32>
    %swap3A_10 = vector.shape_cast %broadcast_in_dim3A_7 : vector<16xf32> to vector<16xf32>
    tpu.vector_store %arg5[%swap3A], %swap3A_10 {strides = array<i32>} : memref<128xf32, #tpu.memory_space<vmem>>, vector<16xf32>,
    %broadcast_in_dim3A_11 = arith.constant 1.000000e+00 : f32
    %broadcast_in_dim3A_12 = vector.broadcast %broadcast_in_dim3A_11 : f32 to vector<16xf32>
    %swap3A_13 = arith.constant 16 : index
    %swap3A_14 = tpu.vector_load %arg5[%swap3A_13] {strides = array<i32>} : memref<128xf32, #tpu.memory_space<vmem>>, vector<16xf32>,
    %swap3A_15 = vector.shape_cast %swap3A_14 : vector<16xf32> to vector<16xf32>
    %swap3A_16 = vector.shape_cast %broadcast_in_dim3A_12 : vector<16xf32> to vector<16xf32>
    tpu.vector_store %arg5[%swap3A_13], %swap3A_16 {strides = array<i32>} : memref<128xf32, #tpu.memory_space<vmem>>, vector<16xf32>,
    %broadcast_in_dim3A_17 = arith.constant 1.000000e+00 : f32
    %broadcast_in_dim3A_18 = vector.broadcast %broadcast_in_dim3A_17 : f32 to vector<16xf32>
    %swap3A_19 = arith.constant 32 : index
    %swap3A_20 = tpu.vector_load %arg5[%swap3A_19] {strides = array<i32>} : memref<128xf32, #tpu.memory_space<vmem>>, vector<16xf32>,
    %swap3A_21 = vector.shape_cast %swap3A_20 : vector<16xf32> to vector<16xf32>
    %swap3A_22 = vector.shape_cast %broadcast_in_dim3A_18 : vector<16xf32> to vector<16xf32>
    tpu.vector_store %arg5[%swap3A_19], %swap3A_22 {strides = array<i32>} : memref<128xf32, #tpu.memory_space<vmem>>, vector<16xf32>,
    %broadcast_in_dim3A_23 = arith.constant 1.000000e+00 : f32
    %broadcast_in_dim3A_24 = vector.broadcast %broadcast_in_dim3A_23 : f32 to vector<16xf32>
    %swap3A_25 = arith.constant 48 : index
    %swap3A_26 = tpu.vector_load %arg5[%swap3A_25] {strides = array<i32>} : memref<128xf32, #tpu.memory_space<vmem>>, vector<16xf32>,
    %swap3A_27 = vector.shape_cast %swap3A_26 : vector<16xf32> to vector<16xf32>
    %swap3A_28 = vector.shape_cast %broadcast_in_dim3A_24 : vector<16xf32> to vector<16xf32>
    tpu.vector_store %arg5[%swap3A_25], %swap3A_28 {strides = array<i32>} : memref<128xf32, #tpu.memory_space<vmem>>, vector<16xf32>,
    %broadcast_in_dim3A_29 = arith.constant 1.000000e+00 : f32
    %broadcast_in_dim3A_30 = vector.broadcast %broadcast_in_dim3A_29 : f32 to vector<16xf32>
    %swap3A_31 = arith.constant 64 : index
    %swap3A_32 = tpu.vector_load %arg5[%swap3A_31] {strides = array<i32>} : memref<128xf32, #tpu.memory_space<vmem>>, vector<16xf32>,
    %swap3A_33 = vector.shape_cast %swap3A_32 : vector<16xf32> to vector<16xf32>
    %swap3A_34 = vector.shape_cast %broadcast_in_dim3A_30 : vector<16xf32> to vector<16xf32>
    tpu.vector_store %arg5[%swap3A_31], %swap3A_34 {strides = array<i32>} : memref<128xf32, #tpu.memory_space<vmem>>, vector<16xf32>,
    %broadcast_in_dim3A_35 = arith.constant 1.000000e+00 : f32
    %broadcast_in_dim3A_36 = vector.broadcast %broadcast_in_dim3A_35 : f32 to vector<16xf32>
    %swap3A_37 = arith.constant 80 : index
    %swap3A_38 = tpu.vector_load %arg5[%swap3A_37] {strides = array<i32>} : memref<128xf32, #tpu.memory_space<vmem>>, vector<16xf32>,
    %swap3A_39 = vector.shape_cast %swap3A_38 : vector<16xf32> to vector<16xf32>
    %swap3A_40 = vector.shape_cast %broadcast_in_dim3A_36 : vector<16xf32> to vector<16xf32>
    tpu.vector_store %arg5[%swap3A_37], %swap3A_40 {strides = array<i32>} : memref<128xf32, #tpu.memory_space<vmem>>, vector<16xf32>,
    %broadcast_in_dim3A_41 = arith.constant 1.000000e+00 : f32
    %broadcast_in_dim3A_42 = vector.broadcast %broadcast_in_dim3A_41 : f32 to vector<16xf32>
    %swap3A_43 = arith.constant 96 : index
    %swap3A_44 = tpu.vector_load %arg5[%swap3A_43] {strides = array<i32>} : memref<128xf32, #tpu.memory_space<vmem>>, vector<16xf32>,
    %swap3A_45 = vector.shape_cast %swap3A_44 : vector<16xf32> to vector<16xf32>
    %swap3A_46 = vector.shape_cast %broadcast_in_dim3A_42 : vector<16xf32> to vector<16xf32>
    tpu.vector_store %arg5[%swap3A_43], %swap3A_46 {strides = array<i32>} : memref<128xf32, #tpu.memory_space<vmem>>, vector<16xf32>,
    %broadcast_in_dim3A_47 = arith.constant 1.000000e+00 : f32
    %broadcast_in_dim3A_48 = vector.broadcast %broadcast_in_dim3A_47 : f32 to vector<16xf32>
    %swap3A_49 = arith.constant 112 : index
    %swap3A_50 = tpu.vector_load %arg5[%swap3A_49] {strides = array<i32>} : memref<128xf32, #tpu.memory_space<vmem>>, vector<16xf32>,
    %swap3A_51 = vector.shape_cast %swap3A_50 : vector<16xf32> to vector<16xf32>
    %swap3A_52 = vector.shape_cast %broadcast_in_dim3A_48 : vector<16xf32> to vector<16xf32>
    tpu.vector_store %arg5[%swap3A_49], %swap3A_52 {strides = array<i32>} : memref<128xf32, #tpu.memory_space<vmem>>, vector<16xf32>,
    %mul3A_53 = arith.constant 640 : i32
    %mul3A_54 = arith.muli %arg1, %mul3A_53 : i32
    "tpu.region"() ({
      %run_scoped3A = tpu.sem_alloc : memref<!tpu.dma_semaphore, #tpu.memory_space<semaphore_mem>>
      %dma_start3A = tpu.memref_slice %arg7[%mul3A_54] : memref<10240xf32, #tpu.memory_space<vmem_shared>> -> memref<640xf32, #tpu.memory_space<vmem_shared>>
      %dma_start3A_67 = tpu.memref_slice %arg7[%mul3A_54] : memref<10240xf32, #tpu.memory_space<vmem_shared>> -> memref<640xf32, #tpu.memory_space<vmem_shared>>
      tpu.enqueue_dma source(%arg6 : memref<640xf32, #tpu.memory_space<vmem>>) target(%dma_start3A_67 : memref<640xf32, #tpu.memory_space<vmem_shared>>) target_semaphore(%run_scoped3A : memref<!tpu.dma_semaphore, #tpu.memory_space<semaphore_mem>>)
      %dma_wait3A = tpu.memref_slice %arg7[%mul3A_54] : memref<10240xf32, #tpu.memory_space<vmem_shared>> -> memref<640xf32, #tpu.memory_space<vmem_shared>>
      %dma_wait3A_68 = tpu.memref_slice %arg7[%mul3A_54] : memref<10240xf32, #tpu.memory_space<vmem_shared>> -> memref<640xf32, #tpu.memory_space<vmem_shared>>
      tpu.wait_dma2 semaphore(%run_scoped3A : memref<!tpu.dma_semaphore, #tpu.memory_space<semaphore_mem>>) src(%arg6 : memref<640xf32, #tpu.memory_space<vmem>>) dst(%dma_wait3A_68 : memref<640xf32, #tpu.memory_space<vmem_shared>>)
      tpu.yield
    }) : () -> ()
    %barrier3A = arith.constant 0 : index
    tpu.barrier barrier_id(%barrier3A)
    "tpu.region"() ({
      %run_scoped3A = tpu.sem_alloc : memref<!tpu.dma_semaphore, #tpu.memory_space<semaphore_mem>>
      %dma_start3A = arith.constant 0 : i32
      %dma_start3A_67 = arith.constant 0 : i32
      %dma_start3A_68 = tpu.memref_slice %arg2[%add3A, %dma_start3A, %dma_start3A_67] : memref<32x79x128xi32, #tpu.memory_space<hbm>> -> memref<1x79x128xi32, #tpu.memory_space<hbm>>
      %dma_start3A_69 = tpu.memref_squeeze %dma_start3A_68 : memref<1x79x128xi32, #tpu.memory_space<hbm>> -> memref<79x128xi32, #tpu.memory_space<hbm>>
      %dma_start3A_70 = arith.constant 0 : i32
      %dma_start3A_71 = arith.constant 0 : i32
      %dma_start3A_72 = tpu.memref_slice %arg2[%add3A, %dma_start3A_70, %dma_start3A_71] : memref<32x79x128xi32, #tpu.memory_space<hbm>> -> memref<1x79x128xi32, #tpu.memory_space<hbm>>
      %dma_start3A_73 = tpu.memref_squeeze %dma_start3A_72 : memref<1x79x128xi32, #tpu.memory_space<hbm>> -> memref<79x128xi32, #tpu.memory_space<hbm>>
      tpu.enqueue_dma source(%dma_start3A_73 : memref<79x128xi32, #tpu.memory_space<hbm>>) target(%arg4 : memref<79x128xi32, #tpu.memory_space<vmem>>) target_semaphore(%run_scoped3A : memref<!tpu.dma_semaphore, #tpu.memory_space<semaphore_mem>>)
      %dma_wait3A = arith.constant 0 : i32
      %dma_wait3A_74 = arith.constant 0 : i32
      %dma_wait3A_75 = tpu.memref_slice %arg2[%add3A, %dma_wait3A, %dma_wait3A_74] : memref<32x79x128xi32, #tpu.memory_space<hbm>> -> memref<1x79x128xi32, #tpu.memory_space<hbm>>
      %dma_wait3A_76 = tpu.memref_squeeze %dma_wait3A_75 : memref<1x79x128xi32, #tpu.memory_space<hbm>> -> memref<79x128xi32, #tpu.memory_space<hbm>>
      %dma_wait3A_77 = arith.constant 0 : i32
      %dma_wait3A_78 = arith.constant 0 : i32
      %dma_wait3A_79 = tpu.memref_slice %arg2[%add3A, %dma_wait3A_77, %dma_wait3A_78] : memref<32x79x128xi32, #tpu.memory_space<hbm>> -> memref<1x79x128xi32, #tpu.memory_space<hbm>>
      %dma_wait3A_80 = tpu.memref_squeeze %dma_wait3A_79 : memref<1x79x128xi32, #tpu.memory_space<hbm>> -> memref<79x128xi32, #tpu.memory_space<hbm>>
      tpu.wait_dma2 semaphore(%run_scoped3A : memref<!tpu.dma_semaphore, #tpu.memory_space<semaphore_mem>>) src(%dma_wait3A_80 : memref<79x128xi32, #tpu.memory_space<hbm>>) dst(%arg4 : memref<79x128xi32, #tpu.memory_space<vmem>>)
      tpu.yield
    }) : () -> ()
    %scan3A_55 = arith.constant 0 : i32
    %scan3A_56 = arith.constant 0 : i32
    %scan3A_57 = arith.constant 79 : i32
    %scan3A_58 = arith.addi %scan3A_56, %scan3A_57 : i32
    %scan3A_59 = arith.constant 1 : i32
    %scan3A_60 = scf.for %scan3A_67 = %scan3A_56 to %scan3A_58 step %scan3A_59 iter_args(%scan3A_68 = %scan3A_55) -> (i32)  : i32 {
      "tpu.region"() ({
        %run_scoped3A = tpu.sem_alloc : memref<!tpu.dma_semaphore, #tpu.memory_space<semaphore_mem>>
        %dma_start3A = arith.constant 0 : i32
        %dma_start3A_70 = tpu.memref_slice %arg4[%scan3A_67, %dma_start3A] : memref<79x128xi32, #tpu.memory_space<vmem>> -> memref<1x128xi32, #tpu.memory_space<vmem>>
        %dma_start3A_71 = tpu.memref_squeeze %dma_start3A_70 : memref<1x128xi32, #tpu.memory_space<vmem>> -> memref<128xi32, #tpu.memory_space<vmem>>
        %dma_start3A_72 = arith.constant 0 : i32
        %dma_start3A_73 = tpu.memref_slice %arg7[%dma_start3A_72] : memref<10240xf32, #tpu.memory_space<vmem_shared>> -> memref<10240xf32, #tpu.memory_space<vmem_shared>>
        tpu.enqueue_indirect_dma source(%arg5 : memref<128xf32, #tpu.memory_space<vmem>>) target(%dma_start3A_73 : memref<10240xf32, #tpu.memory_space<vmem_shared>>) offsets(%dma_start3A_71 : memref<128xi32, #tpu.memory_space<vmem>>) semaphore(%run_scoped3A : memref<!tpu.dma_semaphore, #tpu.memory_space<semaphore_mem>>) {add = true}
        %dma_wait3A = arith.constant 0 : i32
        %dma_wait3A_74 = tpu.memref_slice %arg4[%scan3A_67, %dma_wait3A] : memref<79x128xi32, #tpu.memory_space<vmem>> -> memref<1x128xi32, #tpu.memory_space<vmem>>
        %dma_wait3A_75 = tpu.memref_squeeze %dma_wait3A_74 : memref<1x128xi32, #tpu.memory_space<vmem>> -> memref<128xi32, #tpu.memory_space<vmem>>
        %dma_wait3A_76 = arith.constant 0 : i32
        %dma_wait3A_77 = tpu.memref_slice %arg7[%dma_wait3A_76] : memref<10240xf32, #tpu.memory_space<vmem_shared>> -> memref<10240xf32, #tpu.memory_space<vmem_shared>>
        tpu.wait_indirect_dma semaphore(%run_scoped3A : memref<!tpu.dma_semaphore, #tpu.memory_space<semaphore_mem>>) src(%arg5 : memref<128xf32, #tpu.memory_space<vmem>>) dst(%dma_wait3A_77 : memref<10240xf32, #tpu.memory_space<vmem_shared>>)
        tpu.yield
      }) : () -> ()
      %scan3A_69 = arith.constant 0 : i32
      scf.yield %scan3A_69 : i32
    }
    %scan3A_61 = arith.constant 79 : i32
    %barrier3A_62 = arith.constant 0 : index
    tpu.barrier barrier_id(%barrier3A_62)
    %mul3A_63 = arith.constant 640 : i32
    %mul3A_64 = arith.muli %arg1, %mul3A_63 : i32
    %mul3A_65 = arith.constant 640 : i32
    %mul3A_66 = arith.muli %arg1, %mul3A_65 : i32
    "tpu.region"() ({
      %run_scoped3A = tpu.sem_alloc : memref<!tpu.dma_semaphore, #tpu.memory_space<semaphore_mem>>
      %dma_start3A = tpu.memref_slice %arg3[%arg0, %mul3A_66] : memref<2x10240xf32, #tpu.memory_space<hbm>> -> memref<1x640xf32, #tpu.memory_space<hbm>>
      %dma_start3A_67 = tpu.memref_squeeze %dma_start3A : memref<1x640xf32, #tpu.memory_space<hbm>> -> memref<640xf32, #tpu.memory_space<hbm>>
      %dma_start3A_68 = tpu.memref_slice %arg7[%mul3A_64] : memref<10240xf32, #tpu.memory_space<vmem_shared>> -> memref<640xf32, #tpu.memory_space<vmem_shared>>
      tpu.enqueue_dma source(%dma_start3A_68 : memref<640xf32, #tpu.memory_space<vmem_shared>>) target(%dma_start3A_67 : memref<640xf32, #tpu.memory_space<hbm>>) target_semaphore(%run_scoped3A : memref<!tpu.dma_semaphore, #tpu.memory_space<semaphore_mem>>)
      %dma_wait3A = tpu.memref_slice %arg3[%arg0, %mul3A_66] : memref<2x10240xf32, #tpu.memory_space<hbm>> -> memref<1x640xf32, #tpu.memory_space<hbm>>
      %dma_wait3A_69 = tpu.memref_squeeze %dma_wait3A : memref<1x640xf32, #tpu.memory_space<hbm>> -> memref<640xf32, #tpu.memory_space<hbm>>
      %dma_wait3A_70 = tpu.memref_slice %arg7[%mul3A_64] : memref<10240xf32, #tpu.memory_space<vmem_shared>> -> memref<640xf32, #tpu.memory_space<vmem_shared>>
      tpu.wait_dma2 semaphore(%run_scoped3A : memref<!tpu.dma_semaphore, #tpu.memory_space<semaphore_mem>>) src(%dma_wait3A_70 : memref<640xf32, #tpu.memory_space<vmem_shared>>) dst(%dma_wait3A_69 : memref<640xf32, #tpu.memory_space<hbm>>)
      tpu.yield
    }) : () -> ()
    return
  }
}

#map = affine_map<(d0, d1) -> (0, 0)>
#map1 = affine_map<(d0, d1) -> (0, 0, 0)>
module attributes {stable_mosaic.version = 14 : i64} {
  func.func @_seg_body(%arg0: i32, %arg1: i32, %arg2: memref<10240x128xf32, #tpu.memory_space<hbm>>, %arg3: memref<32x79x128xi32, #tpu.memory_space<hbm>>, %arg4: memref<32x79x128xi32, #tpu.memory_space<hbm>>, %arg5: memref<2x10240x128xf32, #tpu.memory_space<hbm>>, %arg6: memref<79x128xi32, #tpu.memory_space<vmem>>, %arg7: memref<79x128xi32, #tpu.memory_space<vmem>>, %arg8: memref<128x128xf32, #tpu.memory_space<vmem>>, %arg9: memref<10240x128xf32, #tpu.memory_space<vmem_shared>>, %arg10: memref<!tpu.dma_semaphore, #tpu.memory_space<semaphore_mem>>) attributes {dimension_semantics = [#tpu.dimension_semantics<core_parallel>, #tpu.dimension_semantics<subcore_parallel>], iteration_bounds = array<i64: 2, 16>, scalar_prefetch = 0 : i64, scratch_operands = 5 : i64, tpu.core_type = #tpu.core_type<sc_vector_subcore>, window_params = [{transform_indices = #map}, {transform_indices = #map1}, {transform_indices = #map1}, {transform_indices = #map1}]} {
    %mul3A = arith.constant 16 : i32
    %mul3A_0 = arith.muli %arg0, %mul3A : i32
    %add3A = arith.addi %mul3A_0, %arg1 : i32
    %scan3A = arith.constant 0 : i32
    %scan3A_1 = arith.constant 0 : i32
    %scan3A_2 = arith.constant 128 : i32
    %scan3A_3 = arith.addi %scan3A_1, %scan3A_2 : i32
    %scan3A_4 = arith.constant 1 : i32
    %scan3A_5 = scf.for %scan3A_26 = %scan3A_1 to %scan3A_3 step %scan3A_4 iter_args(%scan3A_27 = %scan3A) -> (i32)  : i32 {
      %broadcast_in_dim3A = arith.constant 0.000000e+00 : f32
      %broadcast_in_dim3A_28 = vector.broadcast %broadcast_in_dim3A : f32 to vector<16xf32>
      %swap3A = arith.index_cast %scan3A_26 : i32 to index
      %swap3A_29 = arith.constant 0 : index
      %swap3A_30 = tpu.vector_load %arg8[%swap3A, %swap3A_29] {strides = array<i32>} : memref<128x128xf32, #tpu.memory_space<vmem>>, vector<1x16xf32>,
      %swap3A_31 = vector.shape_cast %swap3A_30 : vector<1x16xf32> to vector<16xf32>
      %swap3A_32 = vector.shape_cast %broadcast_in_dim3A_28 : vector<16xf32> to vector<1x16xf32>
      tpu.vector_store %arg8[%swap3A, %swap3A_29], %swap3A_32 {strides = array<i32>} : memref<128x128xf32, #tpu.memory_space<vmem>>, vector<1x16xf32>,
      %broadcast_in_dim3A_33 = arith.constant 0.000000e+00 : f32
      %broadcast_in_dim3A_34 = vector.broadcast %broadcast_in_dim3A_33 : f32 to vector<16xf32>
      %swap3A_35 = arith.index_cast %scan3A_26 : i32 to index
      %swap3A_36 = arith.constant 16 : index
      %swap3A_37 = tpu.vector_load %arg8[%swap3A_35, %swap3A_36] {strides = array<i32>} : memref<128x128xf32, #tpu.memory_space<vmem>>, vector<1x16xf32>,
      %swap3A_38 = vector.shape_cast %swap3A_37 : vector<1x16xf32> to vector<16xf32>
      %swap3A_39 = vector.shape_cast %broadcast_in_dim3A_34 : vector<16xf32> to vector<1x16xf32>
      tpu.vector_store %arg8[%swap3A_35, %swap3A_36], %swap3A_39 {strides = array<i32>} : memref<128x128xf32, #tpu.memory_space<vmem>>, vector<1x16xf32>,
      %broadcast_in_dim3A_40 = arith.constant 0.000000e+00 : f32
      %broadcast_in_dim3A_41 = vector.broadcast %broadcast_in_dim3A_40 : f32 to vector<16xf32>
      %swap3A_42 = arith.index_cast %scan3A_26 : i32 to index
      %swap3A_43 = arith.constant 32 : index
      %swap3A_44 = tpu.vector_load %arg8[%swap3A_42, %swap3A_43] {strides = array<i32>} : memref<128x128xf32, #tpu.memory_space<vmem>>, vector<1x16xf32>,
      %swap3A_45 = vector.shape_cast %swap3A_44 : vector<1x16xf32> to vector<16xf32>
      %swap3A_46 = vector.shape_cast %broadcast_in_dim3A_41 : vector<16xf32> to vector<1x16xf32>
      tpu.vector_store %arg8[%swap3A_42, %swap3A_43], %swap3A_46 {strides = array<i32>} : memref<128x128xf32, #tpu.memory_space<vmem>>, vector<1x16xf32>,
      %broadcast_in_dim3A_47 = arith.constant 0.000000e+00 : f32
      %broadcast_in_dim3A_48 = vector.broadcast %broadcast_in_dim3A_47 : f32 to vector<16xf32>
      %swap3A_49 = arith.index_cast %scan3A_26 : i32 to index
      %swap3A_50 = arith.constant 48 : index
      %swap3A_51 = tpu.vector_load %arg8[%swap3A_49, %swap3A_50] {strides = array<i32>} : memref<128x128xf32, #tpu.memory_space<vmem>>, vector<1x16xf32>,
      %swap3A_52 = vector.shape_cast %swap3A_51 : vector<1x16xf32> to vector<16xf32>
      %swap3A_53 = vector.shape_cast %broadcast_in_dim3A_48 : vector<16xf32> to vector<1x16xf32>
      tpu.vector_store %arg8[%swap3A_49, %swap3A_50], %swap3A_53 {strides = array<i32>} : memref<128x128xf32, #tpu.memory_space<vmem>>, vector<1x16xf32>,
      %broadcast_in_dim3A_54 = arith.constant 0.000000e+00 : f32
      %broadcast_in_dim3A_55 = vector.broadcast %broadcast_in_dim3A_54 : f32 to vector<16xf32>
      %swap3A_56 = arith.index_cast %scan3A_26 : i32 to index
      %swap3A_57 = arith.constant 64 : index
      %swap3A_58 = tpu.vector_load %arg8[%swap3A_56, %swap3A_57] {strides = array<i32>} : memref<128x128xf32, #tpu.memory_space<vmem>>, vector<1x16xf32>,
      %swap3A_59 = vector.shape_cast %swap3A_58 : vector<1x16xf32> to vector<16xf32>
      %swap3A_60 = vector.shape_cast %broadcast_in_dim3A_55 : vector<16xf32> to vector<1x16xf32>
      tpu.vector_store %arg8[%swap3A_56, %swap3A_57], %swap3A_60 {strides = array<i32>} : memref<128x128xf32, #tpu.memory_space<vmem>>, vector<1x16xf32>,
      %broadcast_in_dim3A_61 = arith.constant 0.000000e+00 : f32
      %broadcast_in_dim3A_62 = vector.broadcast %broadcast_in_dim3A_61 : f32 to vector<16xf32>
      %swap3A_63 = arith.index_cast %scan3A_26 : i32 to index
      %swap3A_64 = arith.constant 80 : index
      %swap3A_65 = tpu.vector_load %arg8[%swap3A_63, %swap3A_64] {strides = array<i32>} : memref<128x128xf32, #tpu.memory_space<vmem>>, vector<1x16xf32>,
      %swap3A_66 = vector.shape_cast %swap3A_65 : vector<1x16xf32> to vector<16xf32>
      %swap3A_67 = vector.shape_cast %broadcast_in_dim3A_62 : vector<16xf32> to vector<1x16xf32>
      tpu.vector_store %arg8[%swap3A_63, %swap3A_64], %swap3A_67 {strides = array<i32>} : memref<128x128xf32, #tpu.memory_space<vmem>>, vector<1x16xf32>,
      %broadcast_in_dim3A_68 = arith.constant 0.000000e+00 : f32
      %broadcast_in_dim3A_69 = vector.broadcast %broadcast_in_dim3A_68 : f32 to vector<16xf32>
      %swap3A_70 = arith.index_cast %scan3A_26 : i32 to index
      %swap3A_71 = arith.constant 96 : index
      %swap3A_72 = tpu.vector_load %arg8[%swap3A_70, %swap3A_71] {strides = array<i32>} : memref<128x128xf32, #tpu.memory_space<vmem>>, vector<1x16xf32>,
      %swap3A_73 = vector.shape_cast %swap3A_72 : vector<1x16xf32> to vector<16xf32>
      %swap3A_74 = vector.shape_cast %broadcast_in_dim3A_69 : vector<16xf32> to vector<1x16xf32>
      tpu.vector_store %arg8[%swap3A_70, %swap3A_71], %swap3A_74 {strides = array<i32>} : memref<128x128xf32, #tpu.memory_space<vmem>>, vector<1x16xf32>,
      %broadcast_in_dim3A_75 = arith.constant 0.000000e+00 : f32
      %broadcast_in_dim3A_76 = vector.broadcast %broadcast_in_dim3A_75 : f32 to vector<16xf32>
      %swap3A_77 = arith.index_cast %scan3A_26 : i32 to index
      %swap3A_78 = arith.constant 112 : index
      %swap3A_79 = tpu.vector_load %arg8[%swap3A_77, %swap3A_78] {strides = array<i32>} : memref<128x128xf32, #tpu.memory_space<vmem>>, vector<1x16xf32>,
      %swap3A_80 = vector.shape_cast %swap3A_79 : vector<1x16xf32> to vector<16xf32>
      %swap3A_81 = vector.shape_cast %broadcast_in_dim3A_76 : vector<16xf32> to vector<1x16xf32>
      tpu.vector_store %arg8[%swap3A_77, %swap3A_78], %swap3A_81 {strides = array<i32>} : memref<128x128xf32, #tpu.memory_space<vmem>>, vector<1x16xf32>,
      %scan3A_82 = arith.constant 0 : i32
      scf.yield %scan3A_82 : i32
    }
    %scan3A_6 = arith.constant 128 : i32
    %scan3A_7 = arith.constant 0 : i32
    %scan3A_8 = arith.constant 0 : i32
    %scan3A_9 = arith.constant 5 : i32
    %scan3A_10 = arith.addi %scan3A_8, %scan3A_9 : i32
    %scan3A_11 = arith.constant 1 : i32
    %scan3A_12 = scf.for %scan3A_26 = %scan3A_8 to %scan3A_10 step %scan3A_11 iter_args(%scan3A_27 = %scan3A_7) -> (i32)  : i32 {
      %mul3A_28 = arith.constant 640 : i32
      %mul3A_29 = arith.muli %arg1, %mul3A_28 : i32
      %mul3A_30 = arith.constant 128 : i32
      %mul3A_31 = arith.muli %scan3A_26, %mul3A_30 : i32
      %add3A_32 = arith.addi %mul3A_29, %mul3A_31 : i32
      "tpu.region"() ({
        %run_scoped3A = tpu.sem_alloc : memref<!tpu.dma_semaphore, #tpu.memory_space<semaphore_mem>>
        %dma_start3A = arith.constant 0 : i32
        %dma_start3A_34 = tpu.memref_slice %arg9[%add3A_32, %dma_start3A] : memref<10240x128xf32, #tpu.memory_space<vmem_shared>> -> memref<128x128xf32, #tpu.memory_space<vmem_shared>>
        %dma_start3A_35 = arith.constant 0 : i32
        %dma_start3A_36 = tpu.memref_slice %arg9[%add3A_32, %dma_start3A_35] : memref<10240x128xf32, #tpu.memory_space<vmem_shared>> -> memref<128x128xf32, #tpu.memory_space<vmem_shared>>
        tpu.enqueue_dma source(%arg8 : memref<128x128xf32, #tpu.memory_space<vmem>>) target(%dma_start3A_36 : memref<128x128xf32, #tpu.memory_space<vmem_shared>>) target_semaphore(%run_scoped3A : memref<!tpu.dma_semaphore, #tpu.memory_space<semaphore_mem>>)
        %dma_wait3A = arith.constant 0 : i32
        %dma_wait3A_37 = tpu.memref_slice %arg9[%add3A_32, %dma_wait3A] : memref<10240x128xf32, #tpu.memory_space<vmem_shared>> -> memref<128x128xf32, #tpu.memory_space<vmem_shared>>
        %dma_wait3A_38 = arith.constant 0 : i32
        %dma_wait3A_39 = tpu.memref_slice %arg9[%add3A_32, %dma_wait3A_38] : memref<10240x128xf32, #tpu.memory_space<vmem_shared>> -> memref<128x128xf32, #tpu.memory_space<vmem_shared>>
        tpu.wait_dma2 semaphore(%run_scoped3A : memref<!tpu.dma_semaphore, #tpu.memory_space<semaphore_mem>>) src(%arg8 : memref<128x128xf32, #tpu.memory_space<vmem>>) dst(%dma_wait3A_39 : memref<128x128xf32, #tpu.memory_space<vmem_shared>>)
        tpu.yield
      }) : () -> ()
      %scan3A_33 = arith.constant 0 : i32
      scf.yield %scan3A_33 : i32
    }
    %scan3A_13 = arith.constant 5 : i32
    %barrier3A = arith.constant 0 : index
    tpu.barrier barrier_id(%barrier3A)
    "tpu.region"() ({
      %run_scoped3A = tpu.sem_alloc : memref<!tpu.dma_semaphore, #tpu.memory_space<semaphore_mem>>
      %dma_start3A = arith.constant 0 : i32
      %dma_start3A_26 = arith.constant 0 : i32
      %dma_start3A_27 = tpu.memref_slice %arg3[%add3A, %dma_start3A, %dma_start3A_26] : memref<32x79x128xi32, #tpu.memory_space<hbm>> -> memref<1x79x128xi32, #tpu.memory_space<hbm>>
      %dma_start3A_28 = tpu.memref_squeeze %dma_start3A_27 : memref<1x79x128xi32, #tpu.memory_space<hbm>> -> memref<79x128xi32, #tpu.memory_space<hbm>>
      %dma_start3A_29 = arith.constant 0 : i32
      %dma_start3A_30 = arith.constant 0 : i32
      %dma_start3A_31 = tpu.memref_slice %arg3[%add3A, %dma_start3A_29, %dma_start3A_30] : memref<32x79x128xi32, #tpu.memory_space<hbm>> -> memref<1x79x128xi32, #tpu.memory_space<hbm>>
      %dma_start3A_32 = tpu.memref_squeeze %dma_start3A_31 : memref<1x79x128xi32, #tpu.memory_space<hbm>> -> memref<79x128xi32, #tpu.memory_space<hbm>>
      tpu.enqueue_dma source(%dma_start3A_32 : memref<79x128xi32, #tpu.memory_space<hbm>>) target(%arg6 : memref<79x128xi32, #tpu.memory_space<vmem>>) target_semaphore(%run_scoped3A : memref<!tpu.dma_semaphore, #tpu.memory_space<semaphore_mem>>)
      %dma_wait3A = arith.constant 0 : i32
      %dma_wait3A_33 = arith.constant 0 : i32
      %dma_wait3A_34 = tpu.memref_slice %arg3[%add3A, %dma_wait3A, %dma_wait3A_33] : memref<32x79x128xi32, #tpu.memory_space<hbm>> -> memref<1x79x128xi32, #tpu.memory_space<hbm>>
      %dma_wait3A_35 = tpu.memref_squeeze %dma_wait3A_34 : memref<1x79x128xi32, #tpu.memory_space<hbm>> -> memref<79x128xi32, #tpu.memory_space<hbm>>
      %dma_wait3A_36 = arith.constant 0 : i32
      %dma_wait3A_37 = arith.constant 0 : i32
      %dma_wait3A_38 = tpu.memref_slice %arg3[%add3A, %dma_wait3A_36, %dma_wait3A_37] : memref<32x79x128xi32, #tpu.memory_space<hbm>> -> memref<1x79x128xi32, #tpu.memory_space<hbm>>
      %dma_wait3A_39 = tpu.memref_squeeze %dma_wait3A_38 : memref<1x79x128xi32, #tpu.memory_space<hbm>> -> memref<79x128xi32, #tpu.memory_space<hbm>>
      tpu.wait_dma2 semaphore(%run_scoped3A : memref<!tpu.dma_semaphore, #tpu.memory_space<semaphore_mem>>) src(%dma_wait3A_39 : memref<79x128xi32, #tpu.memory_space<hbm>>) dst(%arg6 : memref<79x128xi32, #tpu.memory_space<vmem>>)
      tpu.yield
    }) : () -> ()
    "tpu.region"() ({
      %run_scoped3A = tpu.sem_alloc : memref<!tpu.dma_semaphore, #tpu.memory_space<semaphore_mem>>
      %dma_start3A = arith.constant 0 : i32
      %dma_start3A_26 = arith.constant 0 : i32
      %dma_start3A_27 = tpu.memref_slice %arg4[%add3A, %dma_start3A, %dma_start3A_26] : memref<32x79x128xi32, #tpu.memory_space<hbm>> -> memref<1x79x128xi32, #tpu.memory_space<hbm>>
      %dma_start3A_28 = tpu.memref_squeeze %dma_start3A_27 : memref<1x79x128xi32, #tpu.memory_space<hbm>> -> memref<79x128xi32, #tpu.memory_space<hbm>>
      %dma_start3A_29 = arith.constant 0 : i32
      %dma_start3A_30 = arith.constant 0 : i32
      %dma_start3A_31 = tpu.memref_slice %arg4[%add3A, %dma_start3A_29, %dma_start3A_30] : memref<32x79x128xi32, #tpu.memory_space<hbm>> -> memref<1x79x128xi32, #tpu.memory_space<hbm>>
      %dma_start3A_32 = tpu.memref_squeeze %dma_start3A_31 : memref<1x79x128xi32, #tpu.memory_space<hbm>> -> memref<79x128xi32, #tpu.memory_space<hbm>>
      tpu.enqueue_dma source(%dma_start3A_32 : memref<79x128xi32, #tpu.memory_space<hbm>>) target(%arg7 : memref<79x128xi32, #tpu.memory_space<vmem>>) target_semaphore(%run_scoped3A : memref<!tpu.dma_semaphore, #tpu.memory_space<semaphore_mem>>)
      %dma_wait3A = arith.constant 0 : i32
      %dma_wait3A_33 = arith.constant 0 : i32
      %dma_wait3A_34 = tpu.memref_slice %arg4[%add3A, %dma_wait3A, %dma_wait3A_33] : memref<32x79x128xi32, #tpu.memory_space<hbm>> -> memref<1x79x128xi32, #tpu.memory_space<hbm>>
      %dma_wait3A_35 = tpu.memref_squeeze %dma_wait3A_34 : memref<1x79x128xi32, #tpu.memory_space<hbm>> -> memref<79x128xi32, #tpu.memory_space<hbm>>
      %dma_wait3A_36 = arith.constant 0 : i32
      %dma_wait3A_37 = arith.constant 0 : i32
      %dma_wait3A_38 = tpu.memref_slice %arg4[%add3A, %dma_wait3A_36, %dma_wait3A_37] : memref<32x79x128xi32, #tpu.memory_space<hbm>> -> memref<1x79x128xi32, #tpu.memory_space<hbm>>
      %dma_wait3A_39 = tpu.memref_squeeze %dma_wait3A_38 : memref<1x79x128xi32, #tpu.memory_space<hbm>> -> memref<79x128xi32, #tpu.memory_space<hbm>>
      tpu.wait_dma2 semaphore(%run_scoped3A : memref<!tpu.dma_semaphore, #tpu.memory_space<semaphore_mem>>) src(%dma_wait3A_39 : memref<79x128xi32, #tpu.memory_space<hbm>>) dst(%arg7 : memref<79x128xi32, #tpu.memory_space<vmem>>)
      tpu.yield
    }) : () -> ()
    %scan3A_14 = arith.constant 0 : i32
    %scan3A_15 = arith.constant 0 : i32
    %scan3A_16 = arith.constant 79 : i32
    %scan3A_17 = arith.addi %scan3A_15, %scan3A_16 : i32
    %scan3A_18 = arith.constant 1 : i32
    %scan3A_19 = scf.for %scan3A_26 = %scan3A_15 to %scan3A_17 step %scan3A_18 iter_args(%scan3A_27 = %scan3A_14) -> (i32)  : i32 {
      %dma_start3A = arith.constant 0 : i32
      %dma_start3A_28 = tpu.memref_slice %arg6[%scan3A_26, %dma_start3A] : memref<79x128xi32, #tpu.memory_space<vmem>> -> memref<1x128xi32, #tpu.memory_space<vmem>>
      %dma_start3A_29 = tpu.memref_squeeze %dma_start3A_28 : memref<1x128xi32, #tpu.memory_space<vmem>> -> memref<128xi32, #tpu.memory_space<vmem>>
      %dma_start3A_30 = arith.constant 0 : i32
      %dma_start3A_31 = arith.constant 0 : i32
      %dma_start3A_32 = tpu.memref_slice %arg2[%dma_start3A_30, %dma_start3A_31] : memref<10240x128xf32, #tpu.memory_space<hbm>> -> memref<10240x128xf32, #tpu.memory_space<hbm>>
      tpu.enqueue_indirect_dma source(%dma_start3A_32 : memref<10240x128xf32, #tpu.memory_space<hbm>>) target(%arg8 : memref<128x128xf32, #tpu.memory_space<vmem>>) offsets(%dma_start3A_29 : memref<128xi32, #tpu.memory_space<vmem>>) semaphore(%arg10 : memref<!tpu.dma_semaphore, #tpu.memory_space<semaphore_mem>>)
      %dma_wait3A = arith.constant 0 : i32
      %dma_wait3A_33 = tpu.memref_slice %arg6[%scan3A_26, %dma_wait3A] : memref<79x128xi32, #tpu.memory_space<vmem>> -> memref<1x128xi32, #tpu.memory_space<vmem>>
      %dma_wait3A_34 = tpu.memref_squeeze %dma_wait3A_33 : memref<1x128xi32, #tpu.memory_space<vmem>> -> memref<128xi32, #tpu.memory_space<vmem>>
      %dma_wait3A_35 = arith.constant 0 : i32
      %dma_wait3A_36 = arith.constant 0 : i32
      %dma_wait3A_37 = tpu.memref_slice %arg2[%dma_wait3A_35, %dma_wait3A_36] : memref<10240x128xf32, #tpu.memory_space<hbm>> -> memref<10240x128xf32, #tpu.memory_space<hbm>>
      tpu.wait_indirect_dma semaphore(%arg10 : memref<!tpu.dma_semaphore, #tpu.memory_space<semaphore_mem>>) src(%dma_wait3A_37 : memref<10240x128xf32, #tpu.memory_space<hbm>>) dst(%arg8 : memref<128x128xf32, #tpu.memory_space<vmem>>)
      "tpu.region"() ({
        %run_scoped3A = tpu.sem_alloc : memref<!tpu.dma_semaphore, #tpu.memory_space<semaphore_mem>>
        %dma_start3A_39 = arith.constant 0 : i32
        %dma_start3A_40 = tpu.memref_slice %arg7[%scan3A_26, %dma_start3A_39] : memref<79x128xi32, #tpu.memory_space<vmem>> -> memref<1x128xi32, #tpu.memory_space<vmem>>
        %dma_start3A_41 = tpu.memref_squeeze %dma_start3A_40 : memref<1x128xi32, #tpu.memory_space<vmem>> -> memref<128xi32, #tpu.memory_space<vmem>>
        %dma_start3A_42 = arith.constant 0 : i32
        %dma_start3A_43 = arith.constant 0 : i32
        %dma_start3A_44 = tpu.memref_slice %arg9[%dma_start3A_42, %dma_start3A_43] : memref<10240x128xf32, #tpu.memory_space<vmem_shared>> -> memref<10240x128xf32, #tpu.memory_space<vmem_shared>>
        tpu.enqueue_indirect_dma source(%arg8 : memref<128x128xf32, #tpu.memory_space<vmem>>) target(%dma_start3A_44 : memref<10240x128xf32, #tpu.memory_space<vmem_shared>>) offsets(%dma_start3A_41 : memref<128xi32, #tpu.memory_space<vmem>>) semaphore(%run_scoped3A : memref<!tpu.dma_semaphore, #tpu.memory_space<semaphore_mem>>) {add = true}
        %dma_wait3A_45 = arith.constant 0 : i32
        %dma_wait3A_46 = tpu.memref_slice %arg7[%scan3A_26, %dma_wait3A_45] : memref<79x128xi32, #tpu.memory_space<vmem>> -> memref<1x128xi32, #tpu.memory_space<vmem>>
        %dma_wait3A_47 = tpu.memref_squeeze %dma_wait3A_46 : memref<1x128xi32, #tpu.memory_space<vmem>> -> memref<128xi32, #tpu.memory_space<vmem>>
        %dma_wait3A_48 = arith.constant 0 : i32
        %dma_wait3A_49 = arith.constant 0 : i32
        %dma_wait3A_50 = tpu.memref_slice %arg9[%dma_wait3A_48, %dma_wait3A_49] : memref<10240x128xf32, #tpu.memory_space<vmem_shared>> -> memref<10240x128xf32, #tpu.memory_space<vmem_shared>>
        tpu.wait_indirect_dma semaphore(%run_scoped3A : memref<!tpu.dma_semaphore, #tpu.memory_space<semaphore_mem>>) src(%arg8 : memref<128x128xf32, #tpu.memory_space<vmem>>) dst(%dma_wait3A_50 : memref<10240x128xf32, #tpu.memory_space<vmem_shared>>)
        tpu.yield
      }) : () -> ()
      %scan3A_38 = arith.constant 0 : i32
      scf.yield %scan3A_38 : i32
    }
    %scan3A_20 = arith.constant 79 : i32
    %barrier3A_21 = arith.constant 0 : index
    tpu.barrier barrier_id(%barrier3A_21)
    %mul3A_22 = arith.constant 640 : i32
    %mul3A_23 = arith.muli %arg1, %mul3A_22 : i32
    %mul3A_24 = arith.constant 640 : i32
    %mul3A_25 = arith.muli %arg1, %mul3A_24 : i32
    "tpu.region"() ({
      %run_scoped3A = tpu.sem_alloc : memref<!tpu.dma_semaphore, #tpu.memory_space<semaphore_mem>>
      %dma_start3A = arith.constant 0 : i32
      %dma_start3A_26 = tpu.memref_slice %arg5[%arg0, %mul3A_25, %dma_start3A] : memref<2x10240x128xf32, #tpu.memory_space<hbm>> -> memref<1x640x128xf32, #tpu.memory_space<hbm>>
      %dma_start3A_27 = tpu.memref_squeeze %dma_start3A_26 : memref<1x640x128xf32, #tpu.memory_space<hbm>> -> memref<640x128xf32, #tpu.memory_space<hbm>>
      %dma_start3A_28 = arith.constant 0 : i32
      %dma_start3A_29 = tpu.memref_slice %arg9[%mul3A_23, %dma_start3A_28] : memref<10240x128xf32, #tpu.memory_space<vmem_shared>> -> memref<640x128xf32, #tpu.memory_space<vmem_shared>>
      tpu.enqueue_dma source(%dma_start3A_29 : memref<640x128xf32, #tpu.memory_space<vmem_shared>>) target(%dma_start3A_27 : memref<640x128xf32, #tpu.memory_space<hbm>>) target_semaphore(%run_scoped3A : memref<!tpu.dma_semaphore, #tpu.memory_space<semaphore_mem>>)
      %dma_wait3A = arith.constant 0 : i32
      %dma_wait3A_30 = tpu.memref_slice %arg5[%arg0, %mul3A_25, %dma_wait3A] : memref<2x10240x128xf32, #tpu.memory_space<hbm>> -> memref<1x640x128xf32, #tpu.memory_space<hbm>>
      %dma_wait3A_31 = tpu.memref_squeeze %dma_wait3A_30 : memref<1x640x128xf32, #tpu.memory_space<hbm>> -> memref<640x128xf32, #tpu.memory_space<hbm>>
      %dma_wait3A_32 = arith.constant 0 : i32
      %dma_wait3A_33 = tpu.memref_slice %arg9[%mul3A_23, %dma_wait3A_32] : memref<10240x128xf32, #tpu.memory_space<vmem_shared>> -> memref<640x128xf32, #tpu.memory_space<vmem_shared>>
      tpu.wait_dma2 semaphore(%run_scoped3A : memref<!tpu.dma_semaphore, #tpu.memory_space<semaphore_mem>>) src(%dma_wait3A_33 : memref<640x128xf32, #tpu.memory_space<vmem_shared>>) dst(%dma_wait3A_31 : memref<640x128xf32, #tpu.memory_space<hbm>>)
      tpu.yield
    }) : () -> ()
    return
  }
}

module attributes {stable_mosaic.version = 14 : i64} {
  func.func @_prep_body(%arg0: i32, %arg1: memref<1024x128xf32, #tpu.memory_space<vmem>>, %arg2: memref<128x128xf32, #tpu.memory_space<vmem>>, %arg3: memref<1024x2xf32, #tpu.memory_space<vmem>>, %arg4: memref<1024x128xf32, #tpu.memory_space<vmem>>, %arg5: memref<1024x1xf32, #tpu.memory_space<vmem>>) attributes {dimension_semantics = [#tpu.dimension_semantics<arbitrary>], iteration_bounds = array<i64: 10>, scalar_prefetch = 0 : i64, scratch_operands = 0 : i64, tpu.core_type = #tpu.core_type<tc>, window_params = [{transform_indices = @transform_0, window_bounds = array<i64: 1024, 128>}, {pipeline_mode = #tpu.pipeline_mode<synchronous>, transform_indices = @transform_1, window_bounds = array<i64: 128, 128>}, {transform_indices = @transform_2, window_bounds = array<i64: 1024, 2>}, {transform_indices = @transform_3, window_bounds = array<i64: 1024, 128>}, {transform_indices = @transform_4, window_bounds = array<i64: 1024, 1>}]} {
    %get3A = arith.constant 0 : index
    %get3A_0 = arith.constant 0 : index
    %get3A_1 = vector.load %arg3[%get3A, %get3A_0] : memref<1024x2xf32, #tpu.memory_space<vmem>>, vector<1024x1xf32>
    %get3A_2 = arith.constant 0 : index
    %get3A_3 = arith.constant 1 : index
    %get3A_4 = vector.load %arg3[%get3A_2, %get3A_3] : memref<1024x2xf32, #tpu.memory_space<vmem>>, vector<1024x1xf32>
    %add3A = arith.addf %get3A_1, %get3A_4 : vector<1024x1xf32>
    %add3A_5 = arith.constant 1.000000e+00 : f32
    %add3A_6 = vector.broadcast %add3A_5 : f32 to vector<1024x1xf32>
    %add3A_7 = arith.addf %add3A, %add3A_6 : vector<1024x1xf32>
    %max3A = arith.constant 9.99999996E-13 : f32
    %max3A_8 = vector.broadcast %max3A : f32 to vector<1024x1xf32>
    %max3A_9 = arith.maximumf %add3A_7, %max3A_8 : vector<1024x1xf32>
    %rsqrt3A = math.rsqrt %max3A_9 : vector<1024x1xf32>
    %get3A_10 = arith.constant 0 : index
    %get3A_11 = arith.constant 0 : index
    %get3A_12 = vector.load %arg1[%get3A_10, %get3A_11] : memref<1024x128xf32, #tpu.memory_space<vmem>>, vector<1024x128xf32>
    %get3A_13 = arith.constant 0 : index
    %get3A_14 = arith.constant 0 : index
    %get3A_15 = vector.load %arg2[%get3A_13, %get3A_14] : memref<128x128xf32, #tpu.memory_space<vmem>>, vector<128x128xf32>
    %dot_general3A = arith.constant dense<0.000000e+00> : vector<1024x128xf32>
    %dot_general3A_16 = tpu.matmul %get3A_12, %get3A_15, %dot_general3A {dimension_numbers = #tpu.dot_dimension_numbers<[1], [0], [0], [1], [0, 0, 1, 1], [], []>, transpose_lhs_hint = false} : vector<1024x128xf32>, vector<128x128xf32>, vector<1024x128xf32> -> vector<1024x128xf32>
    %mul3A = vector.broadcast %rsqrt3A : vector<1024x1xf32> to vector<1024x128xf32>
    %mul3A_17 = arith.mulf %dot_general3A_16, %mul3A : vector<1024x128xf32>
    %swap3A = arith.constant 0 : index
    %swap3A_18 = arith.constant 0 : index
    %swap3A_19 = vector.load %arg4[%swap3A, %swap3A_18] : memref<1024x128xf32, #tpu.memory_space<vmem>>, vector<1024x128xf32>
    tpu.vector_store %arg4[%swap3A, %swap3A_18], %mul3A_17 {strides = array<i32>} : memref<1024x128xf32, #tpu.memory_space<vmem>>, vector<1024x128xf32>,
    %swap3A_20 = arith.constant 0 : index
    %swap3A_21 = arith.constant 0 : index
    %swap3A_22 = vector.load %arg5[%swap3A_20, %swap3A_21] : memref<1024x1xf32, #tpu.memory_space<vmem>>, vector<1024x1xf32>
    tpu.vector_store %arg5[%swap3A_20, %swap3A_21], %rsqrt3A {strides = array<i32>} : memref<1024x1xf32, #tpu.memory_space<vmem>>, vector<1024x1xf32>,
    return
  }
  func.func @transform_0(%arg0: i32) -> (i32, i32) {
    %c0_i32 = arith.constant 0 : i32
    %c0_i32_0 = arith.constant 0 : i32
    return %arg0, %c0_i32 : i32, i32
  }
  func.func @transform_1(%arg0: i32) -> (i32, i32) {
    %c0_i32 = arith.constant 0 : i32
    %c0_i32_0 = arith.constant 0 : i32
    %c0_i32_1 = arith.constant 0 : i32
    return %c0_i32, %c0_i32_0 : i32, i32
  }
  func.func @transform_2(%arg0: i32) -> (i32, i32) {
    %c0_i32 = arith.constant 0 : i32
    %c0_i32_0 = arith.constant 0 : i32
    return %arg0, %c0_i32 : i32, i32
  }
  func.func @transform_3(%arg0: i32) -> (i32, i32) {
    %c0_i32 = arith.constant 0 : i32
    %c0_i32_0 = arith.constant 0 : i32
    return %arg0, %c0_i32 : i32, i32
  }
  func.func @transform_4(%arg0: i32) -> (i32, i32) {
    %c0_i32 = arith.constant 0 : i32
    %c0_i32_0 = arith.constant 0 : i32
    return %arg0, %c0_i32 : i32, i32
  }
}

module attributes {stable_mosaic.version = 14 : i64} {
  func.func @_out_body(%arg0: i32, %arg1: memref<2x1024x128xf32, #tpu.memory_space<vmem>>, %arg2: memref<1024x128xf32, #tpu.memory_space<vmem>>, %arg3: memref<1024x1xf32, #tpu.memory_space<vmem>>, %arg4: memref<1x128xf32, #tpu.memory_space<vmem>>, %arg5: memref<16x128xf32, #tpu.memory_space<vmem>>, %arg6: memref<16x128xf32, #tpu.memory_space<vmem>>, %arg7: memref<16x128xf32, #tpu.memory_space<vmem>>, %arg8: memref<1x16xf32, #tpu.memory_space<vmem>>, %arg9: memref<1x16xf32, #tpu.memory_space<vmem>>, %arg10: memref<1x16xf32, #tpu.memory_space<vmem>>, %arg11: memref<1024x16xf32, #tpu.memory_space<vmem>>) attributes {dimension_semantics = [#tpu.dimension_semantics<arbitrary>], iteration_bounds = array<i64: 10>, scalar_prefetch = 0 : i64, scratch_operands = 0 : i64, tpu.core_type = #tpu.core_type<tc>, window_params = [{transform_indices = @transform_0, window_bounds = array<i64: 2, 1024, 128>}, {transform_indices = @transform_1, window_bounds = array<i64: 1024, 128>}, {transform_indices = @transform_2, window_bounds = array<i64: 1024, 1>}, {pipeline_mode = #tpu.pipeline_mode<synchronous>, transform_indices = @transform_3, window_bounds = array<i64: 1, 128>}, {pipeline_mode = #tpu.pipeline_mode<synchronous>, transform_indices = @transform_4, window_bounds = array<i64: 16, 128>}, {pipeline_mode = #tpu.pipeline_mode<synchronous>, transform_indices = @transform_5, window_bounds = array<i64: 16, 128>}, {pipeline_mode = #tpu.pipeline_mode<synchronous>, transform_indices = @transform_6, window_bounds = array<i64: 16, 128>}, {pipeline_mode = #tpu.pipeline_mode<synchronous>, transform_indices = @transform_7, window_bounds = array<i64: 1, 16>}, {pipeline_mode = #tpu.pipeline_mode<synchronous>, transform_indices = @transform_8, window_bounds = array<i64: 1, 16>}, {pipeline_mode = #tpu.pipeline_mode<synchronous>, transform_indices = @transform_9, window_bounds = array<i64: 1, 16>}, {transform_indices = @transform_10, window_bounds = array<i64: 1024, 16>}]} {
    %get3A = arith.constant 0 : index
    %get3A_0 = arith.constant 0 : index
    %get3A_1 = arith.constant 0 : index
    %get3A_2 = vector.load %arg1[%get3A, %get3A_0, %get3A_1] : memref<2x1024x128xf32, #tpu.memory_space<vmem>>, vector<1x1024x128xf32>
    %get3A_3 = vector.shape_cast %get3A_2 : vector<1x1024x128xf32> to vector<1024x128xf32>
    %get3A_4 = arith.constant 1 : index
    %get3A_5 = arith.constant 0 : index
    %get3A_6 = arith.constant 0 : index
    %get3A_7 = vector.load %arg1[%get3A_4, %get3A_5, %get3A_6] : memref<2x1024x128xf32, #tpu.memory_space<vmem>>, vector<1x1024x128xf32>
    %get3A_8 = vector.shape_cast %get3A_7 : vector<1x1024x128xf32> to vector<1024x128xf32>
    %add3A = arith.addf %get3A_3, %get3A_8 : vector<1024x128xf32>
    %get3A_9 = arith.constant 0 : index
    %get3A_10 = arith.constant 0 : index
    %get3A_11 = vector.load %arg2[%get3A_9, %get3A_10] : memref<1024x128xf32, #tpu.memory_space<vmem>>, vector<1024x128xf32>
    %add3A_12 = arith.addf %add3A, %get3A_11 : vector<1024x128xf32>
    %get3A_13 = arith.constant 0 : index
    %get3A_14 = arith.constant 0 : index
    %get3A_15 = vector.load %arg3[%get3A_13, %get3A_14] : memref<1024x1xf32, #tpu.memory_space<vmem>>, vector<1024x1xf32>
    %mul3A = vector.broadcast %get3A_15 : vector<1024x1xf32> to vector<1024x128xf32>
    %mul3A_16 = arith.mulf %add3A_12, %mul3A : vector<1024x128xf32>
    %get3A_17 = arith.constant 0 : index
    %get3A_18 = arith.constant 0 : index
    %get3A_19 = vector.load %arg4[%get3A_17, %get3A_18] : memref<1x128xf32, #tpu.memory_space<vmem>>, vector<1x128xf32>
    %add3A_20 = vector.broadcast %get3A_19 : vector<1x128xf32> to vector<1024x128xf32>
    %add3A_21 = arith.addf %mul3A_16, %add3A_20 : vector<1024x128xf32>
    %max3A = arith.constant 0.000000e+00 : f32
    %max3A_22 = vector.broadcast %max3A : f32 to vector<1024x128xf32>
    %max3A_23 = arith.maximumf %add3A_21, %max3A_22 : vector<1024x128xf32>
    %get3A_24 = arith.constant 0 : index
    %get3A_25 = arith.constant 0 : index
    %get3A_26 = vector.load %arg5[%get3A_24, %get3A_25] : memref<16x128xf32, #tpu.memory_space<vmem>>, vector<16x128xf32>
    %get3A_27 = arith.constant 0 : index
    %get3A_28 = arith.constant 0 : index
    %get3A_29 = vector.load %arg6[%get3A_27, %get3A_28] : memref<16x128xf32, #tpu.memory_space<vmem>>, vector<16x128xf32>
    %exp3A = math.exp %get3A_29 : vector<16x128xf32>
    %get3A_30 = arith.constant 0 : index
    %get3A_31 = arith.constant 0 : index
    %get3A_32 = vector.load %arg7[%get3A_30, %get3A_31] : memref<16x128xf32, #tpu.memory_space<vmem>>, vector<16x128xf32>
    %mul3A_33 = arith.mulf %exp3A, %get3A_32 : vector<16x128xf32>
    %add3A_34 = arith.addf %get3A_26, %mul3A_33 : vector<16x128xf32>
    %get3A_35 = arith.constant 0 : index
    %get3A_36 = arith.constant 0 : index
    %get3A_37 = vector.load %arg8[%get3A_35, %get3A_36] : memref<1x16xf32, #tpu.memory_space<vmem>>, vector<1x16xf32>
    %get3A_38 = arith.constant 0 : index
    %get3A_39 = arith.constant 0 : index
    %get3A_40 = vector.load %arg9[%get3A_38, %get3A_39] : memref<1x16xf32, #tpu.memory_space<vmem>>, vector<1x16xf32>
    %exp3A_41 = math.exp %get3A_40 : vector<1x16xf32>
    %get3A_42 = arith.constant 0 : index
    %get3A_43 = arith.constant 0 : index
    %get3A_44 = vector.load %arg10[%get3A_42, %get3A_43] : memref<1x16xf32, #tpu.memory_space<vmem>>, vector<1x16xf32>
    %mul3A_45 = arith.mulf %exp3A_41, %get3A_44 : vector<1x16xf32>
    %add3A_46 = arith.addf %get3A_37, %mul3A_45 : vector<1x16xf32>
    %dot_general3A = arith.constant dense<0.000000e+00> : vector<1024x16xf32>
    %dot_general3A_47 = tpu.matmul %max3A_23, %add3A_34, %dot_general3A {dimension_numbers = #tpu.dot_dimension_numbers<[1], [1], [0], [0], [0, 0, 1, 0], [], []>, transpose_lhs_hint = false} : vector<1024x128xf32>, vector<16x128xf32>, vector<1024x16xf32> -> vector<1024x16xf32>
    %add3A_48 = vector.broadcast %add3A_46 : vector<1x16xf32> to vector<1024x16xf32>
    %add3A_49 = arith.addf %dot_general3A_47, %add3A_48 : vector<1024x16xf32>
    %reduce_max3A = arith.constant dense<0xFF800000> : vector<1024xf32>
    %reduce_max3A_50 = vector.multi_reduction <maximumf>, %add3A_49, %reduce_max3A [1] : vector<1024x16xf32> to vector<1024xf32>
    %broadcast_in_dim3A = vector.shape_cast %reduce_max3A_50 : vector<1024xf32> to vector<1024x1xf32>
    %sub3A = vector.broadcast %broadcast_in_dim3A : vector<1024x1xf32> to vector<1024x16xf32>
    %sub3A_51 = arith.subf %add3A_49, %sub3A : vector<1024x16xf32>
    %exp3A_52 = math.exp %sub3A_51 : vector<1024x16xf32>
    %reduce_sum3A = arith.constant dense<0.000000e+00> : vector<1024xf32>
    %reduce_sum3A_53 = vector.multi_reduction <add>, %exp3A_52, %reduce_sum3A [1] : vector<1024x16xf32> to vector<1024xf32>
    %broadcast_in_dim3A_54 = vector.shape_cast %reduce_sum3A_53 : vector<1024xf32> to vector<1024x1xf32>
    %log3A = math.log %broadcast_in_dim3A_54 : vector<1024x1xf32>
    %add3A_55 = arith.addf %broadcast_in_dim3A, %log3A : vector<1024x1xf32>
    %sub3A_56 = vector.broadcast %add3A_55 : vector<1024x1xf32> to vector<1024x16xf32>
    %sub3A_57 = arith.subf %add3A_49, %sub3A_56 : vector<1024x16xf32>
    %swap3A = arith.constant 0 : index
    %swap3A_58 = arith.constant 0 : index
    %swap3A_59 = vector.load %arg11[%swap3A, %swap3A_58] : memref<1024x16xf32, #tpu.memory_space<vmem>>, vector<1024x16xf32>
    tpu.vector_store %arg11[%swap3A, %swap3A_58], %sub3A_57 {strides = array<i32>} : memref<1024x16xf32, #tpu.memory_space<vmem>>, vector<1024x16xf32>,
    return
  }
  func.func @transform_0(%arg0: i32) -> (i32, i32, i32) {
    %c0_i32 = arith.constant 0 : i32
    %c0_i32_0 = arith.constant 0 : i32
    %c0_i32_1 = arith.constant 0 : i32
    return %c0_i32, %arg0, %c0_i32_0 : i32, i32, i32
  }
  func.func @transform_1(%arg0: i32) -> (i32, i32) {
    %c0_i32 = arith.constant 0 : i32
    %c0_i32_0 = arith.constant 0 : i32
    return %arg0, %c0_i32 : i32, i32
  }
  func.func @transform_2(%arg0: i32) -> (i32, i32) {
    %c0_i32 = arith.constant 0 : i32
    %c0_i32_0 = arith.constant 0 : i32
    return %arg0, %c0_i32 : i32, i32
  }
  func.func @transform_3(%arg0: i32) -> (i32, i32) {
    %c0_i32 = arith.constant 0 : i32
    %c0_i32_0 = arith.constant 0 : i32
    %c0_i32_1 = arith.constant 0 : i32
    return %c0_i32, %c0_i32_0 : i32, i32
  }
  func.func @transform_4(%arg0: i32) -> (i32, i32) {
    %c0_i32 = arith.constant 0 : i32
    %c0_i32_0 = arith.constant 0 : i32
    %c0_i32_1 = arith.constant 0 : i32
    return %c0_i32, %c0_i32_0 : i32, i32
  }
  func.func @transform_5(%arg0: i32) -> (i32, i32) {
    %c0_i32 = arith.constant 0 : i32
    %c0_i32_0 = arith.constant 0 : i32
    %c0_i32_1 = arith.constant 0 : i32
    return %c0_i32, %c0_i32_0 : i32, i32
  }
  func.func @transform_6(%arg0: i32) -> (i32, i32) {
    %c0_i32 = arith.constant 0 : i32
    %c0_i32_0 = arith.constant 0 : i32
    %c0_i32_1 = arith.constant 0 : i32
    return %c0_i32, %c0_i32_0 : i32, i32
  }
  func.func @transform_7(%arg0: i32) -> (i32, i32) {
    %c0_i32 = arith.constant 0 : i32
    %c0_i32_0 = arith.constant 0 : i32
    %c0_i32_1 = arith.constant 0 : i32
    return %c0_i32, %c0_i32_0 : i32, i32
  }
  func.func @transform_8(%arg0: i32) -> (i32, i32) {
    %c0_i32 = arith.constant 0 : i32
    %c0_i32_0 = arith.constant 0 : i32
    %c0_i32_1 = arith.constant 0 : i32
    return %c0_i32, %c0_i32_0 : i32, i32
  }
  func.func @transform_9(%arg0: i32) -> (i32, i32) {
    %c0_i32 = arith.constant 0 : i32
    %c0_i32_0 = arith.constant 0 : i32
    %c0_i32_1 = arith.constant 0 : i32
    return %c0_i32, %c0_i32_0 : i32, i32
  }
  func.func @transform_10(%arg0: i32) -> (i32, i32) {
    %c0_i32 = arith.constant 0 : i32
    %c0_i32_0 = arith.constant 0 : i32
    return %arg0, %c0_i32 : i32, i32
  }
}

</mosaic_0001>

<sc_bundles>
// kernel: kernel.6.cloned.1.call-start
scs
__scs_entry_jumppad:
0x0: {  	(pc) =	sbr.rel $0x88, $3  }
0x1: {  	(tag) =	ssettag $0x0;
	lr =	simm.s32 $0x1  }
0x2: {  	[smem:$0x3F97] =	sst lr;
	_ =	strace $0xD0000000  }
0x3: {  	_ = 	snop  }
0x4: {  	_ = 	snop  }
0x5: {  	_ = 	snop  }
0x6: {  	_ = 	snop  }
0x7: {  	_ = 	snop  }
__scs_overlays_trampoline_lowered:
0x8: {  	[smem:$0x3FA6] =	sst s0  }
0x9: {  	[smem:$0x3FA7] =	sst s1  }
0xa: {  	[smem:$0x3FA8] =	sst s2  }
0xb: {  	[smem:$0x3FA9] =	sst s3  }
0xc: {  	[smem:$0x3FAA] =	sst s4  }
0xd: {  	[smem:$0x3FAB] =	sst s5  }
0xe: {  	[smem:$0x3FAC] =	sst s6  }
0xf: {  	[smem:$0x3FAD] =	sst s7  }
0x10: {  	[smem:$0x3FAE] =	sst s8  }
0x11: {  	[smem:$0x3FAF] =	sst s9;
	s0 =	simm.s32 @!p0 $0x0  }
0x12: {  	s1 =	sld [smem:$0x3F95];
	s0 =	simm.s32 @p0 $0x1  }
0x13: {  	[smem:$0x3FB0] =	sst s0;
	s0 =	simm.s32 @!p1 $0x0  }
0x14: {  	s2 =	sld [smem:$0x3F94];
	s0 =	simm.s32 @p1 $0x1  }
0x15: {  	[smem:$0x3FB1] =	sst s0;
	s0 =	simm.s32 @!p2 $0x0  }
0x16: {  	s3 =	sld [smem:$0x3FDB];
	s0 =	simm.s32 @p2 $0x1  }
0x17: {  	s4 =	simm.s32 $0x1BF5;
	[smem:$0x3FB3] =	sst s0  }
0x18: {  	s0 =	sld [smem:$0x3F96];
	_ =	swait.ge [sflag:s4], $0x0  }
0x19: {  	s7 =	sld [smem:$0x3F97]  }
0x1a: {  	s8 =	sadd.s32 $0xFFFFE003, lr  }
0x1b: {  	s9 =	sadd.s32 $0xFFFFFEF7, lr;
	s5 =	simm.s32 $0xFFFFFFFF;
	p2 =	slt.u32 s8, $0xFFFFF086  }
0x1c: {  	p1 =	slt.u32 s9, $0xF7A;
	s5 =	simm.s32 @!p2 $0x0  }
0x1d: {  	s5 =	simm.s32 @p1 $0x1;
	p0 =	seq.s32 s7, s2  }
0x1e: {  	s7 =	smul.u32 @!p0 $0xF7A, s2;
	p2 =	seq.s32 @!p0 s5, $0x0  }
0x1f: {  	s9 =	smul.u32 $0xF7A, s1;
	s8 =	simm.s32 @!p0 $0x1BF5;
	p2 =	por !p2, p0  }
0x20: {  	[sflag:s8] =	ssyncset.s32 @!p0 $0xFFFFF086;
	s6 =	sadd.s32 @!p0 s3, s7;
	s7 =	simm.s32 @!p0 $0x108  }
0x21: {  	s3 =	sadd.s32 s3, s9;
	s6 =	sadd.s32 @!p0 $0x88, s6;
	s7 =	simm.s32 @p2 $0x1082  }
0x22: {  	[simem:s7], [sflag:s8] =	dma.local @!p0 [hbm:s6], $0xF7A  }
0x23: {  	s9 =	sor.u32 $0xD0000000, s2;
	s6 =	simm.s32 $0x108;
	_ =	swait.ge @!p0 [sflag:s8], $0x0  }
0x24: {  	s3 =	sadd.s32 $0x88, s3;
	s6 =	simm.s32 @!p1 $0x1082;
	[sflag:s4] =	ssyncset.s32 $0xFFFFF086  }
0x25: {  	[simem:s6], [sflag:s4] =	dma.local [hbm:s3], $0xF7A  }
0x26: {  	[smem:$0x3F97] =	sst s1;
	(tag) =	ssettag s2;
	_ =	strace s9  }
0x27: {  	s1 =	sld [smem:$0x3FA7]  }
0x28: {  	s2 =	sld [smem:$0x3FA8]  }
0x29: {  	s4 =	sld [smem:$0x3FAA]  }
0x2a: {  	p0 =	seq.s32 s5, $0x0;
	s5 =	sld [smem:$0x3FAB]  }
0x2b: {  	s6 =	sld [smem:$0x3FAC]  }
0x2c: {  	s7 =	sld [smem:$0x3FAD]  }
0x2d: {  	s3 =	simm.s32 $0x108;
	s8 =	sld [smem:$0x3FAE]  }
0x2e: {  	s3 =	simm.s32 @!p0 $0x1082;
	s9 =	sld [smem:$0x3FAF]  }
0x2f: {  	lr =	sadd.s32 s0, s3;
	s0 =	sld [smem:$0x3FA6]  }
0x30: {  	s3 =	sld [smem:$0x3FA9]  }
0x31: {  	[smem:$0x3FB2] =	sst s10  }
0x32: {  	s10 =	sld [smem:$0x3FB0];
	_ =	sdelay $0x3  }
0x33: {  	p0 =	seq.s32 s10, $0x1;
	s10 =	sld [smem:$0x3FB2];
	_ =	sdelay $0x3  }
0x34: {  	[smem:$0x3FB2] =	sst s10  }
0x35: {  	s10 =	sld [smem:$0x3FB1];
	_ =	sdelay $0x3  }
0x36: {  	p1 =	seq.s32 s10, $0x1;
	s10 =	sld [smem:$0x3FB2];
	_ =	sdelay $0x3  }
0x37: {  	[smem:$0x3FB2] =	sst s10  }
0x38: {  	s10 =	sld [smem:$0x3FB3]  }
0x39: {  	_ = 	snop;
	(pc) =	sbr.ind lr, $3  }
0x3a: {  	_ = 	snop  }
0x3b: {  	_ = 	snop  }
0x3c: {  	p2 =	seq.s32 s10, $0x1;
	s10 =	sld [smem:$0x3FB2]  }
0x3d: {  	_ =	shalt  }
0x3e: {  	_ =	shalt  }
0x3f: {  	_ =	shalt  }
0x40: {  	_ =	shalt  }
0x41: {  	_ =	shalt  }
0x42: {  	_ =	shalt  }
0x43: {  	_ =	shalt  }
0x44: {  	_ =	shalt  }
0x45: {  	_ =	shalt  }
0x46: {  	_ =	shalt  }
0x47: {  	_ =	shalt  }
0x48: {  	_ =	shalt  }
0x49: {  	_ =	shalt  }
0x4a: {  	_ =	shalt  }
0x4b: {  	_ =	shalt  }
0x4c: {  	_ =	shalt  }
0x4d: {  	_ =	shalt  }
0x4e: {  	_ =	shalt  }
0x4f: {  	_ =	shalt  }
0x50: {  	_ =	shalt  }
0x51: {  	_ =	shalt  }
0x52: {  	_ =	shalt  }
0x53: {  	_ =	shalt  }
0x54: {  	_ =	shalt  }
0x55: {  	_ =	shalt  }
0x56: {  	_ =	shalt  }
0x57: {  	_ =	shalt  }
0x58: {  	_ =	shalt  }
0x59: {  	_ =	shalt  }
0x5a: {  	_ =	shalt  }
0x5b: {  	_ =	shalt  }
0x5c: {  	_ =	shalt  }
0x5d: {  	_ =	shalt  }
0x5e: {  	_ =	shalt  }
0x5f: {  	_ =	shalt  }
0x60: {  	_ =	shalt  }
0x61: {  	_ =	shalt  }
0x62: {  	_ =	shalt  }
0x63: {  	_ =	shalt  }
0x64: {  	_ =	shalt  }
0x65: {  	_ =	shalt  }
0x66: {  	_ =	shalt  }
0x67: {  	_ =	shalt  }
0x68: {  	_ =	shalt  }
0x69: {  	_ =	shalt  }
0x6a: {  	_ =	shalt  }
0x6b: {  	_ =	shalt  }
0x6c: {  	_ =	shalt  }
0x6d: {  	_ =	shalt  }
0x6e: {  	_ =	shalt  }
0x6f: {  	_ =	shalt  }
0x70: {  	_ =	shalt  }
0x71: {  	_ =	shalt  }
0x72: {  	_ =	shalt  }
0x73: {  	_ =	shalt  }
0x74: {  	_ =	shalt  }
0x75: {  	_ =	shalt  }
0x76: {  	_ =	shalt  }
0x77: {  	_ =	shalt  }
0x78: {  	_ =	shalt  }
0x79: {  	_ =	shalt  }
0x7a: {  	_ =	shalt  }
0x7b: {  	_ =	shalt  }
0x7c: {  	_ =	shalt  }
0x7d: {  	_ =	shalt  }
0x7e: {  	_ =	shalt  }
0x7f: {  	_ =	shalt  }
0x80: {  	_ =	shalt  }
0x81: {  	_ =	shalt  }
0x82: {  	_ =	shalt  }
0x83: {  	_ =	shalt  }
0x84: {  	_ =	shalt  }
0x85: {  	_ =	shalt  }
0x86: {  	_ =	shalt  }
0x87: {  	_ =	shalt  }
.Lfunc_end0:
.L_simem_size_0:
called_computation_lowered:
.L_overlay_start_0:
0x88: {  	s2 =	sld [smem:$0x3FD9]  }
0x89: {  	s3 =	sld [smem:$0x3FFE];
	_ =	sdelay $0x1  }
0x8a: {  	s1 =	srdreg.scid  }
0x8b: {  	s0 =	sand.u32 $0x1, s1  }
0x8c: {  	s17 =	sshll.u32 s0, $0xA;
	s2 =	sadd.s32 s3, s2  }
0x8d: {  	s2 =	sadd.s32 s2, s17  }
0x8e: {  	[smem:$0x3FBE] =	sst s2  }
0x8f: {  	_ = 	snop  }
0x90: {  	s2 =	sld [smem:$0x3FD0];
	(tm) =	ssettm $0x1  }
0x91: {  	s18 =	sld [smem:$0x3FFB];
	_ =	sdelay $0x3  }
0x92: {  	_ =	strace s18  }
0x93: {  	s3 =	sld [smem:$0x3FFC];
	_ =	sdelay $0x3  }
0x94: {  	_ =	strace s3  }
0x95: {  	s3 =	sld [smem:$0x3FFD];
	_ =	sdelay $0x3  }
0x96: {  	_ =	strace s3  }
0x97: {  	_ =	strace $0x8FFFFFFF  }
0x98: {  	s19 =	sld [smem:$0x3FDB];
	_ =	sdelay $0x1  }
0x99: {  	s4 =	simm.s32 $_scs_section_size  }
0x9a: {  	s5 =	simm.s32 $_size__tile_overlayer_lowered;
	s6 =	simm.s32 $_tile_overlayer_lowered  }
0x9b: {  	s22 =	simm.s32 $0x1BFF;
	s21 =	sshll.u32 s6, $0x1;
	s3 =	sadd.s32 s4, s19  }
0x9c: {  	s7 =	simm.s32 $0x0;
	s20 =	sshll.u32 s5, $0x1;
	s5 =	sadd.s32 s21, s3  }
0x9d: {  	[timem:s7], [sflag:s22] =	dma.local [hbm:s5], s20  }
0x9e: {  	_ =	swait.ge [sflag:s22], s20  }
0x9f: {  	s4 =	ssub.s32 $0x0, s20;
	[sflag:s22] =	ssyncset.done $0x0  }
0xa0: {  	[sflag:s22] =	ssyncadd.s32 s4;
	_ =	sdelay $0x1  }
0xa1: {  	s23 =	simm.s32 $0x1B8B  }
0xa2: {  	_ =	swait.ge [sflag:s23], $0x1  }
0xa3: {  	[sflag:s23] =	ssyncset.done $0x0  }
0xa4: {  	s25 =	simm.s32 $0x1B8E;
	s24 =	sld [smem:$0x3FFE];
	[sflag:s23] =	ssyncadd.s32 $0xFFFFFFFF  }
0xa5: {  	s26 =	simm.s32 $execute0_lowered;
	[smem:$0x3FD2] =	sst s25  }
0xa6: {  	s5 =	sshll.u32 s26, $0x1;
	_ =	strace $0x80000046;
	[dreg:$0x1] =	wrdreg $0xFFFFFFFF  }
0xa7: {  	s28 =	simm.s32 $_size_execute0_lowered;
	s3 =	sadd.s32 s3, s5;
	[dreg:$0x0] =	wrdreg $0x0  }
0xa8: {  	s5 =	sshll.u32 s28, $0x1;
	[dreg:$0x2] =	wrdreg s3  }
0xa9: {  	[dreg:$0x3] =	wrdreg s5  }
0xaa: {  	[dreg:$0x4] =	wrdreg $0xC0  }
0xab: {  	_ =	task [dreg:s7], $0x5FFFF  }
0xac: {  	[dreg:$0x1] =	wrdreg $0xFFFFFFFF  }
0xad: {  	[dreg:$0x0] =	wrdreg $0x60  }
0xae: {  	[dreg:$0x2] =	wrdreg s24  }
0xaf: {  	[dreg:$0x3] =	wrdreg s2  }
0xb0: {  	[dreg:$0x4] =	wrdreg $0x2B000  }
0xb1: {  	[dreg:$0x5] =	wrdreg $0x9  }
0xb2: {  	_ =	task.clear_ibuf [dreg:s7], $0x6FFFF;
	_ =	strace $0x90000046  }
0xb3: {  	s29 =	simm.s32 $0x9;
	_ =	strace $0x80000048  }
0xb4: {  	_ =	swait.ge [sflag:s29], $0x1  }
0xb5: {  	[sflag:s29] =	ssyncadd.s32 $0xFFFFFFFF  }
0xb6: {  	_ =	strace $0x90000048  }
0xb7: {  	_ =	sfence  }
0xb8: {  	s30 =	sld [smem:$0x0];
	_ =	sdelay $0x2  }
0xb9: {  	s31 =	sshll.u32 s1, $0xD;
	s1 =	sshrl.u32 s1, $0x2  }
0xba: {  	s3 =	sand.u32 $0x4000, s31;
	s1 =	sadd.s32 s1, s30  }
0xbb: {  	s0 =	sor.u32 s3, s0;
	s1 =	sshll.u32 s1, $0x11  }
0xbc: {  	s0 =	sor.u32 s1, s0  }
0xbd: {  	s0 =	sadd.s32 $0x8F2B, s0  }
0xbe: {  	[sflag:s0] =	ssyncadd.remote.s32 $0x1  }
0xbf: {  	_ =	sfence.sel $0xFFFF  }
0xc0: {  	[dreg:$0x0] =	wrdreg $0xFFFFFFFF;
	(pc) =	sbr.abs _section_cstart, $3  }
0xc1: {  	[dreg:$0x1] =	wrdreg $0xFFFFFFFF  }
0xc2: {  	_ =	task.clear_ibuf [dreg:s7], $0x2FFFF;
	_ =	strace $0x9FFFFFFF  }
0xc3: {  	(tm) =	ssettm $0x7FFFFFFF  }
tec
execute0_lowered:
.L_overlay_start_1:
0x0: {  	(tag) =	ssettag $0x1  }
0x1: {  	s4 =	rddreg [dreg:$0x0]  }
0x2: {  	s6 =	rddreg [dreg:$0x1]  }
0x3: {  	s0 =	srdreg.scid;
	s2 =	rddreg [dreg:$0x2]  }
0x4: {  	s3 =	simm.s32 $0x0;
	s11 =	simm.s32 $0x2800;
	s14 =	simm.s32 $0x20  }
0x5: {  	s15 =	simm.s32 $0x10;
	s5 =	sand.u32 $0x1, s0;
	s0 =	stileid.u32  }
0x6: {  	s16 =	simm.s32 $0x0;
	[smem:$0x7FF] =	sst s3;
	s8 =	smul.u32 $0xA00, s0  }
0x7: {  	s1 =	sshll.u32 s5, $0x4;
	s9 =	ssub.s32 $0x2, s5;
	s10 =	smul.u32 $0x500, s0  }
0x8: {  	s5 =	sshll.u32 s5, $0x7;
	s12 =	sshll.u32 s0, $0x6;
	s7 =	sor.u32 s0, s1  }
0x9: {  	s1 =	rddreg [dreg:$0x3];
	_ =	strace $0x80000047;
	s28 =	sshrl.u32 s9, $0x1  }
0xa: {  	s12 =	sor.u32 $0x1C01, s12;
	s7 =	smul.u32 $0x500, s7;
	s9 =	ssub.s32 s9, s28  }
0xb: {  	s29 =	sshrl.u32 s8, $0x2;
	s30 =	sor.u32 s5, s10;
	s8 =	simm.s32 $0x2880  }
0xc: {  	s10 =	simm.s32 $0x80;
	s31 =	sshrl.u32 s30, $0x3;
	s7 =	sadd.s32 s7, s4  }
0xd: {  	s4 =	sadd.s32 s29, s2;
	s6 =	sadd.s32 s6, s31;
	s5 =	sadd.s32 $0x2400, s7  }
0xe: {  	v0 =	vimm.f32 $0.0e+00;
	v1 =	vimm.f32 $1.000000000e+00;
	s7 =	smax.u32 s9, $0x1;
	s9 =	simm.s32 $0x1;
	s13 =	sshrl.u32 s4, $0x3  }
.LBB2_1:
0xf: {  	[tilespmem:$0x2880] =	vst v0  }
0x10: {  	[tilespmem:$0x2890] =	vst v0  }
0x11: {  	[tilespmem:$0x28A0] =	vst v0  }
0x12: {  	[tilespmem:$0x28B0] =	vst v0  }
0x13: {  	[tilespmem:$0x28C0] =	vst v0  }
0x14: {  	[tilespmem:$0x28D0] =	vst v0  }
0x15: {  	[tilespmem:$0x28E0] =	vst v0  }
0x16: {  	[tilespmem:$0x28F0] =	vst v0  }
0x17: {  	[tilespmem:$0x2900] =	vst v0  }
0x18: {  	[tilespmem:$0x2910] =	vst v0  }
0x19: {  	[tilespmem:$0x2920] =	vst v0  }
0x1a: {  	[tilespmem:$0x2930] =	vst v0  }
0x1b: {  	[tilespmem:$0x2940] =	vst v0  }
0x1c: {  	[tilespmem:$0x2950] =	vst v0  }
0x1d: {  	[tilespmem:$0x2960] =	vst v0  }
0x1e: {  	[tilespmem:$0x2970] =	vst v0  }
0x1f: {  	[tilespmem:$0x2980] =	vst v0  }
0x20: {  	[tilespmem:$0x2990] =	vst v0  }
0x21: {  	[tilespmem:$0x29A0] =	vst v0  }
0x22: {  	[tilespmem:$0x29B0] =	vst v0  }
0x23: {  	[tilespmem:$0x29C0] =	vst v0  }
0x24: {  	[tilespmem:$0x29D0] =	vst v0  }
0x25: {  	[tilespmem:$0x29E0] =	vst v0  }
0x26: {  	[tilespmem:$0x29F0] =	vst v0  }
0x27: {  	[tilespmem:$0x2A00] =	vst v0  }
0x28: {  	[tilespmem:$0x2A10] =	vst v0  }
0x29: {  	[tilespmem:$0x2A20] =	vst v0  }
0x2a: {  	[tilespmem:$0x2A30] =	vst v0  }
0x2b: {  	[tilespmem:$0x2A40] =	vst v0  }
0x2c: {  	[tilespmem:$0x2A50] =	vst v0  }
0x2d: {  	[tilespmem:$0x2A60] =	vst v0  }
0x2e: {  	[tilespmem:$0x2A70] =	vst v0  }
0x2f: {  	[tilespmem:$0x2A80] =	vst v0  }
0x30: {  	[tilespmem:$0x2A90] =	vst v0  }
0x31: {  	[tilespmem:$0x2AA0] =	vst v0  }
0x32: {  	[tilespmem:$0x2AB0] =	vst v0  }
0x33: {  	[tilespmem:$0x2AC0] =	vst v0  }
0x34: {  	[tilespmem:$0x2AD0] =	vst v0  }
0x35: {  	[tilespmem:$0x2AE0] =	vst v0  }
0x36: {  	[tilespmem:$0x2AF0] =	vst v0  }
0x37: {  	[tilespmem:$0x2800] =	vst v1  }
0x38: {  	[tilespmem:$0x2810] =	vst v1  }
0x39: {  	[tilespmem:$0x2820] =	vst v1  }
0x3a: {  	[tilespmem:$0x2830] =	vst v1  }
0x3b: {  	[tilespmem:$0x2840] =	vst v1  }
0x3c: {  	[tilespmem:$0x2850] =	vst v1  }
0x3d: {  	[tilespmem:$0x2860] =	vst v1  }
0x3e: {  	[tilespmem:$0x2870] =	vst v1  }
0x3f: {  	[spmem:s4] =	stream.linear.scatter [tilespmem:s8], [sflag:$0x1], $0x280, $0x38;
	[tilespmem:$0x2D80] =	vst v63  }
0x40: {  	_ =	swait.ge [sflag:s9], $0x280  }
0x41: {  	[sflag:s9] =	ssyncset.done $0x0  }
0x42: {  	[sflag:s9] =	ssyncadd.s32 $0xFFFFFD80  }
0x43: {  	[bflag:$0x0] =	sbarrier.arrive $0xFFFF  }
0x44: {  	[tilespmem:s3], [sflag:$0x1] =	stream.linear.gather [hbm4b:s5+s3], $0x2780, $0x38;
	[tilespmem:$0x2D80] =	vst v63  }
0x45: {  	_ =	swait.ge [sflag:s9], $0x2780  }
0x46: {  	[sflag:s9] =	ssyncset.done $0x0  }
0x47: {  	s17 =	simm.s32 $0x0;
	[sflag:s9] =	ssyncadd.s32 $0xFFFFD880  }
0x48: {  	[spmem:s2] =	stream.indirect.scatter.add.f32 [tilespmem:s11], [sflag:$0x1], $0x1, s17, s10, $0xb8;
	[tilespmem:$0x2D80] =	vst v63  }
0x49: {  	_ =	swait.ge [sflag:s9], $0x80  }
0x4a: {  	s17 =	simm.s32 $0x200;
	[sflag:s9] =	ssyncset.done $0x0  }
.LBB2_2:
0x4b: {  	s18 =	sshra.s32 s17, $0x2;
	[sflag:s9] =	ssyncadd.s32 $0xFFFFFF80;
	p0 =	sne.s32 s17, $0x9C00  }
0x4c: {  	[spmem:s2] =	stream.indirect.scatter.add.f32 [tilespmem:s11], [sflag:$0x1], $0x1, s18, s10, $0xb8;
	[tilespmem:$0x2D80] =	vst v63  }
.Ltmp0:
0x4d: {  	_ = 	snop;
	(pc) =	sbr.rel @p0 .LBB2_2-.Ltmp0, $4  }
0x4e: {  	_ = 	snop  }
0x4f: {  	s17 =	sadd.s32 $0x200, s17  }
0x50: {  	_ =	swait.ge [sflag:s9], $0x80  }
0x51: {  	[sflag:s9] =	ssyncset.done $0x0  }
0x52: {  	s16 =	sadd.s32 $0x1, s16  }
0x53: {  	[sflag:s9] =	ssyncadd.s32 $0xFFFFFF80;
	p0 =	sne.s32 s16, s7  }
.Ltmp1:
0x54: {  	[bflag:$0x0] =	sbarrier.arrive $0xFFFF;
	(pc) =	sbr.rel @p0 .LBB2_1-.Ltmp1, $4  }
0x55: {  	[hbm:s6@s14], [sflag:s12] =	dma.strided [spmem:s13@s15], $0x50, s9, $0x10   }
0x56: {  	_ =	swait.ge [sflag:s9], $0x50  }
0x57: {  	[sflag:s9] =	ssyncset.done $0x0  }
0x58: {  	[sflag:s9] =	ssyncadd.s32 $0xFFFFFFB0  }
0x59: {  	_ =	sfence.sel $0x180000  }
0x5a: {  	[bflag:$0x0] =	sbarrier.arrive $0xFFFF  }
0x5b: {  	p0 =	sne.s32 s0, $0x0;
	_ =	strace $0x90000047  }
0x5c: {  	s0 =	sadd.s32 @!p0 $0x100000, s1;
	[bflag:$0x2] =	sbarrier.arrive $0xFFFF  }
0x5d: {  	[sflag:s0] =	ssyncadd.tile.s32 @!p0 $0x1;
	_ =	shalt  }
.Lfunc_end2:
_tile_overlayer_lowered:
.L_overlay_start_2:
0x5e: {  	(tag) =	ssettag $0x2  }
0x5f: {  	s0 =	rddreg [dreg:$0x0];
	s2 =	stileid.u32  }
0x60: {  	s1 =	rddreg [dreg:$0x1];
	p0 =	sne.s32 s2, $0x0  }
0x61: {  	s3 =	rddreg [dreg:$0x2];
	[bflag:$0x3] =	sbarrier.arrive $0xFFFF;
	s2 =	simm.s32 @!p0 $0x1C01  }
0x62: {  	[timem:s3], [sflag:s2] =	dma.local @!p0 [hbm:s0], s1  }
0x63: {  	s0 =	simm.s32 @!p0 $0x1  }
0x64: {  	_ =	swait.ge @!p0 [sflag:s0], s1  }
0x65: {  	s1 =	ssub.s32 @!p0 $0x0, s1;
	[sflag:s0] =	ssyncset.done @!p0 $0x0  }
0x66: {  	[sflag:s0] =	ssyncadd.s32 @!p0 s1  }
0x67: {  	[bflag:$0x3] =	sbarrier.arrive $0xFFFF  }
0x68: {  	_ =	shalt  }

// kernel: kernel.9.cloned.1.call-start
scs
__scs_entry_jumppad:
0x0: {  	(pc) =	sbr.rel $0x88, $3  }
0x1: {  	(tag) =	ssettag $0x0;
	lr =	simm.s32 $0x1  }
0x2: {  	[smem:$0x3F97] =	sst lr;
	_ =	strace $0xD0000000  }
0x3: {  	_ = 	snop  }
0x4: {  	_ = 	snop  }
0x5: {  	_ = 	snop  }
0x6: {  	_ = 	snop  }
0x7: {  	_ = 	snop  }
__scs_overlays_trampoline_lowered:
0x8: {  	[smem:$0x3FA6] =	sst s0  }
0x9: {  	[smem:$0x3FA7] =	sst s1  }
0xa: {  	[smem:$0x3FA8] =	sst s2  }
0xb: {  	[smem:$0x3FA9] =	sst s3  }
0xc: {  	[smem:$0x3FAA] =	sst s4  }
0xd: {  	[smem:$0x3FAB] =	sst s5  }
0xe: {  	[smem:$0x3FAC] =	sst s6  }
0xf: {  	[smem:$0x3FAD] =	sst s7  }
0x10: {  	[smem:$0x3FAE] =	sst s8  }
0x11: {  	[smem:$0x3FAF] =	sst s9;
	s0 =	simm.s32 @!p0 $0x0  }
0x12: {  	s1 =	sld [smem:$0x3F95];
	s0 =	simm.s32 @p0 $0x1  }
0x13: {  	[smem:$0x3FB0] =	sst s0;
	s0 =	simm.s32 @!p1 $0x0  }
0x14: {  	s2 =	sld [smem:$0x3F94];
	s0 =	simm.s32 @p1 $0x1  }
0x15: {  	[smem:$0x3FB1] =	sst s0;
	s0 =	simm.s32 @!p2 $0x0  }
0x16: {  	s3 =	sld [smem:$0x3FDB];
	s0 =	simm.s32 @p2 $0x1  }
0x17: {  	s4 =	simm.s32 $0x1BF5;
	[smem:$0x3FB3] =	sst s0  }
0x18: {  	s0 =	sld [smem:$0x3F96];
	_ =	swait.ge [sflag:s4], $0x0  }
0x19: {  	s7 =	sld [smem:$0x3F97]  }
0x1a: {  	s8 =	sadd.s32 $0xFFFFE003, lr  }
0x1b: {  	s9 =	sadd.s32 $0xFFFFFEF7, lr;
	s5 =	simm.s32 $0xFFFFFFFF;
	p2 =	slt.u32 s8, $0xFFFFF086  }
0x1c: {  	p1 =	slt.u32 s9, $0xF7A;
	s5 =	simm.s32 @!p2 $0x0  }
0x1d: {  	s5 =	simm.s32 @p1 $0x1;
	p0 =	seq.s32 s7, s2  }
0x1e: {  	s7 =	smul.u32 @!p0 $0xF7A, s2;
	p2 =	seq.s32 @!p0 s5, $0x0  }
0x1f: {  	s9 =	smul.u32 $0xF7A, s1;
	s8 =	simm.s32 @!p0 $0x1BF5;
	p2 =	por !p2, p0  }
0x20: {  	[sflag:s8] =	ssyncset.s32 @!p0 $0xFFFFF086;
	s6 =	sadd.s32 @!p0 s3, s7;
	s7 =	simm.s32 @!p0 $0x108  }
0x21: {  	s3 =	sadd.s32 s3, s9;
	s6 =	sadd.s32 @!p0 $0x88, s6;
	s7 =	simm.s32 @p2 $0x1082  }
0x22: {  	[simem:s7], [sflag:s8] =	dma.local @!p0 [hbm:s6], $0xF7A  }
0x23: {  	s9 =	sor.u32 $0xD0000000, s2;
	s6 =	simm.s32 $0x108;
	_ =	swait.ge @!p0 [sflag:s8], $0x0  }
0x24: {  	s3 =	sadd.s32 $0x88, s3;
	s6 =	simm.s32 @!p1 $0x1082;
	[sflag:s4] =	ssyncset.s32 $0xFFFFF086  }
0x25: {  	[simem:s6], [sflag:s4] =	dma.local [hbm:s3], $0xF7A  }
0x26: {  	[smem:$0x3F97] =	sst s1;
	(tag) =	ssettag s2;
	_ =	strace s9  }
0x27: {  	s1 =	sld [smem:$0x3FA7]  }
0x28: {  	s2 =	sld [smem:$0x3FA8]  }
0x29: {  	s4 =	sld [smem:$0x3FAA]  }
0x2a: {  	p0 =	seq.s32 s5, $0x0;
	s5 =	sld [smem:$0x3FAB]  }
0x2b: {  	s6 =	sld [smem:$0x3FAC]  }
0x2c: {  	s7 =	sld [smem:$0x3FAD]  }
0x2d: {  	s3 =	simm.s32 $0x108;
	s8 =	sld [smem:$0x3FAE]  }
0x2e: {  	s3 =	simm.s32 @!p0 $0x1082;
	s9 =	sld [smem:$0x3FAF]  }
0x2f: {  	lr =	sadd.s32 s0, s3;
	s0 =	sld [smem:$0x3FA6]  }
0x30: {  	s3 =	sld [smem:$0x3FA9]  }
0x31: {  	[smem:$0x3FB2] =	sst s10  }
0x32: {  	s10 =	sld [smem:$0x3FB0];
	_ =	sdelay $0x3  }
0x33: {  	p0 =	seq.s32 s10, $0x1;
	s10 =	sld [smem:$0x3FB2];
	_ =	sdelay $0x3  }
0x34: {  	[smem:$0x3FB2] =	sst s10  }
0x35: {  	s10 =	sld [smem:$0x3FB1];
	_ =	sdelay $0x3  }
0x36: {  	p1 =	seq.s32 s10, $0x1;
	s10 =	sld [smem:$0x3FB2];
	_ =	sdelay $0x3  }
0x37: {  	[smem:$0x3FB2] =	sst s10  }
0x38: {  	s10 =	sld [smem:$0x3FB3]  }
0x39: {  	_ = 	snop;
	(pc) =	sbr.ind lr, $3  }
0x3a: {  	_ = 	snop  }
0x3b: {  	_ = 	snop  }
0x3c: {  	p2 =	seq.s32 s10, $0x1;
	s10 =	sld [smem:$0x3FB2]  }
0x3d: {  	_ =	shalt  }
0x3e: {  	_ =	shalt  }
0x3f: {  	_ =	shalt  }
0x40: {  	_ =	shalt  }
0x41: {  	_ =	shalt  }
0x42: {  	_ =	shalt  }
0x43: {  	_ =	shalt  }
0x44: {  	_ =	shalt  }
0x45: {  	_ =	shalt  }
0x46: {  	_ =	shalt  }
0x47: {  	_ =	shalt  }
0x48: {  	_ =	shalt  }
0x49: {  	_ =	shalt  }
0x4a: {  	_ =	shalt  }
0x4b: {  	_ =	shalt  }
0x4c: {  	_ =	shalt  }
0x4d: {  	_ =	shalt  }
0x4e: {  	_ =	shalt  }
0x4f: {  	_ =	shalt  }
0x50: {  	_ =	shalt  }
0x51: {  	_ =	shalt  }
0x52: {  	_ =	shalt  }
0x53: {  	_ =	shalt  }
0x54: {  	_ =	shalt  }
0x55: {  	_ =	shalt  }
0x56: {  	_ =	shalt  }
0x57: {  	_ =	shalt  }
0x58: {  	_ =	shalt  }
0x59: {  	_ =	shalt  }
0x5a: {  	_ =	shalt  }
0x5b: {  	_ =	shalt  }
0x5c: {  	_ =	shalt  }
0x5d: {  	_ =	shalt  }
0x5e: {  	_ =	shalt  }
0x5f: {  	_ =	shalt  }
0x60: {  	_ =	shalt  }
0x61: {  	_ =	shalt  }
0x62: {  	_ =	shalt  }
0x63: {  	_ =	shalt  }
0x64: {  	_ =	shalt  }
0x65: {  	_ =	shalt  }
0x66: {  	_ =	shalt  }
0x67: {  	_ =	shalt  }
0x68: {  	_ =	shalt  }
0x69: {  	_ =	shalt  }
0x6a: {  	_ =	shalt  }
0x6b: {  	_ =	shalt  }
0x6c: {  	_ =	shalt  }
0x6d: {  	_ =	shalt  }
0x6e: {  	_ =	shalt  }
0x6f: {  	_ =	shalt  }
0x70: {  	_ =	shalt  }
0x71: {  	_ =	shalt  }
0x72: {  	_ =	shalt  }
0x73: {  	_ =	shalt  }
0x74: {  	_ =	shalt  }
0x75: {  	_ =	shalt  }
0x76: {  	_ =	shalt  }
0x77: {  	_ =	shalt  }
0x78: {  	_ =	shalt  }
0x79: {  	_ =	shalt  }
0x7a: {  	_ =	shalt  }
0x7b: {  	_ =	shalt  }
0x7c: {  	_ =	shalt  }
0x7d: {  	_ =	shalt  }
0x7e: {  	_ =	shalt  }
0x7f: {  	_ =	shalt  }
0x80: {  	_ =	shalt  }
0x81: {  	_ =	shalt  }
0x82: {  	_ =	shalt  }
0x83: {  	_ =	shalt  }
0x84: {  	_ =	shalt  }
0x85: {  	_ =	shalt  }
0x86: {  	_ =	shalt  }
0x87: {  	_ =	shalt  }
.Lfunc_end0:
.L_simem_size_0:
called_computation.1_lowered:
.L_overlay_start_0:
0x88: {  	s2 =	sld [smem:$0x3FD9]  }
0x89: {  	s3 =	sld [smem:$0x3FFE];
	_ =	sdelay $0x1  }
0x8a: {  	s1 =	srdreg.scid  }
0x8b: {  	s0 =	sand.u32 $0x1, s1  }
0x8c: {  	s16 =	sshll.u32 s0, $0xA;
	s2 =	sadd.s32 s3, s2  }
0x8d: {  	s2 =	sadd.s32 s2, s16  }
0x8e: {  	[smem:$0x3FBE] =	sst s2  }
0x8f: {  	_ = 	snop  }
0x90: {  	(tm) =	ssettm $0x1  }
0x91: {  	s17 =	sld [smem:$0x3FFB];
	_ =	sdelay $0x3  }
0x92: {  	_ =	strace s17  }
0x93: {  	s2 =	sld [smem:$0x3FFC];
	_ =	sdelay $0x3  }
0x94: {  	_ =	strace s2  }
0x95: {  	s2 =	sld [smem:$0x3FFD];
	_ =	sdelay $0x3  }
0x96: {  	_ =	strace s2  }
0x97: {  	_ =	strace $0x8FFFFFFF  }
0x98: {  	s18 =	sld [smem:$0x3FDB];
	_ =	sdelay $0x1  }
0x99: {  	s19 =	simm.s32 $_scs_section_size  }
0x9a: {  	s4 =	simm.s32 $_size__tile_overlayer_lowered;
	s5 =	simm.s32 $_tile_overlayer_lowered  }
0x9b: {  	s22 =	simm.s32 $0x1BFF;
	s21 =	sshll.u32 s5, $0x1;
	s2 =	sadd.s32 s19, s18  }
0x9c: {  	s6 =	simm.s32 $0x0;
	s20 =	sshll.u32 s4, $0x1;
	s4 =	sadd.s32 s21, s2  }
0x9d: {  	[timem:s6], [sflag:s22] =	dma.local [hbm:s4], s20  }
0x9e: {  	_ =	swait.ge [sflag:s22], s20  }
0x9f: {  	s3 =	ssub.s32 $0x0, s20;
	[sflag:s22] =	ssyncset.done $0x0  }
0xa0: {  	[sflag:s22] =	ssyncadd.s32 s3;
	_ =	sdelay $0x1  }
0xa1: {  	s23 =	simm.s32 $0x1B8B  }
0xa2: {  	_ =	swait.ge [sflag:s23], $0x1  }
0xa3: {  	[sflag:s23] =	ssyncset.done $0x0  }
0xa4: {  	s25 =	simm.s32 $0x1B8E;
	s24 =	sld [smem:$0x3FFE];
	[sflag:s23] =	ssyncadd.s32 $0xFFFFFFFF  }
0xa5: {  	s26 =	simm.s32 $execute0_lowered;
	[smem:$0x3FD2] =	sst s25  }
0xa6: {  	s4 =	sshll.u32 s26, $0x1;
	_ =	strace $0x80000049;
	[dreg:$0x1] =	wrdreg $0xFFFFFFFF  }
0xa7: {  	s28 =	simm.s32 $_size_execute0_lowered;
	s2 =	sadd.s32 s2, s4;
	[dreg:$0x0] =	wrdreg $0x0  }
0xa8: {  	s4 =	sshll.u32 s28, $0x1;
	[dreg:$0x2] =	wrdreg s2  }
0xa9: {  	[dreg:$0x3] =	wrdreg s4  }
0xaa: {  	[dreg:$0x4] =	wrdreg $0xC0  }
0xab: {  	_ =	task [dreg:s6], $0x5FFFF  }
0xac: {  	[dreg:$0x1] =	wrdreg $0xFFFFFFFF  }
0xad: {  	[dreg:$0x0] =	wrdreg $0x60  }
0xae: {  	[dreg:$0x2] =	wrdreg s24  }
0xaf: {  	[dreg:$0x3] =	wrdreg $0x90000  }
0xb0: {  	[dreg:$0x4] =	wrdreg $0x9  }
0xb1: {  	_ =	task.clear_ibuf [dreg:s6], $0x5FFFF;
	_ =	strace $0x90000049  }
0xb2: {  	s29 =	simm.s32 $0x9;
	_ =	strace $0x8000004B  }
0xb3: {  	_ =	swait.ge [sflag:s29], $0x1  }
0xb4: {  	[sflag:s29] =	ssyncadd.s32 $0xFFFFFFFF  }
0xb5: {  	_ =	strace $0x9000004B  }
0xb6: {  	_ =	sfence  }
0xb7: {  	s30 =	sld [smem:$0x0];
	_ =	sdelay $0x2  }
0xb8: {  	s31 =	sshll.u32 s1, $0xD;
	s1 =	sshrl.u32 s1, $0x2  }
0xb9: {  	s3 =	sand.u32 $0x4000, s31;
	s1 =	sadd.s32 s1, s30  }
0xba: {  	s0 =	sor.u32 s3, s0;
	s1 =	sshll.u32 s1, $0x11  }
0xbb: {  	s0 =	sor.u32 s1, s0  }
0xbc: {  	s0 =	sadd.s32 $0x8F2B, s0  }
0xbd: {  	[sflag:s0] =	ssyncadd.remote.s32 $0x1  }
0xbe: {  	_ =	sfence.sel $0xFFFF  }
0xbf: {  	[dreg:$0x0] =	wrdreg $0xFFFFFFFF;
	(pc) =	sbr.abs _section_cstart, $3  }
0xc0: {  	[dreg:$0x1] =	wrdreg $0xFFFFFFFF  }
0xc1: {  	_ =	task.clear_ibuf [dreg:s6], $0x2FFFF;
	_ =	strace $0x9FFFFFFF  }
0xc2: {  	(tm) =	ssettm $0x7FFFFFFF  }
0xc3: {  	_ =	shalt  }
tec
execute0_lowered:
.L_overlay_start_1:
0x0: {  	(tag) =	ssettag $0x1  }
0x1: {  	s5 =	rddreg [dreg:$0x0]  }
0x2: {  	s1 =	rddreg [dreg:$0x1]  }
0x3: {  	s2 =	srdreg.scid;
	s0 =	rddreg [dreg:$0x2];
	s3 =	simm.s32 $0x0  }
0x4: {  	s14 =	simm.s32 $0x5000;
	s15 =	simm.s32 $0x2;
	s16 =	simm.s32 $0x2800  }
0x5: {  	s17 =	simm.s32 $0x80;
	s6 =	sand.u32 $0x1, s2;
	s2 =	stileid.u32  }
0x6: {  	s18 =	simm.s32 $0x1;
	[smem:$0x7FF] =	sst s3;
	s7 =	smul.u32 $0x140000, s6  }
0x7: {  	s4 =	sshll.u32 s6, $0x4;
	s8 =	smul.u32 $0x14000, s2;
	_ =	strace $0x8000004A  }
0x8: {  	s29 =	smul.u32 $0x50000, s2;
	s6 =	ssub.s32 $0x2, s6;
	s19 =	sshll.u32 s2, $0x6  }
0x9: {  	s4 =	sor.u32 s2, s4;
	s30 =	sshrl.u32 s6, $0x1;
	s19 =	sor.u32 $0x1C02, s19  }
0xa: {  	s9 =	smul.u32 $0x500, s4;
	s4 =	sadd.s32 $0x16400, s5;
	s7 =	sadd.s32 s8, s7  }
0xb: {  	s31 =	sshrl.u32 s29, $0x2;
	s11 =	ssub.s32 s6, s30;
	s7 =	sshrl.u32 s7, $0x3  }
0xc: {  	s9 =	sadd.s32 s9, s5;
	s10 =	sadd.s32 s7, s5;
	s5 =	sadd.s32 s31, s1  }
0xd: {  	s6 =	sadd.s32 $0xC400, s9;
	s7 =	sadd.s32 $0x2400, s9;
	s8 =	sadd.s32 $0x3E400, s10  }
0xe: {  	s9 =	smax.u32 s11, $0x1;
	s10 =	sadd.s32 $0x4000, s5;
	s11 =	sadd.s32 $0x8000, s5  }
0xf: {  	v0 =	vimm.f32 $0.0e+00;
	s12 =	sadd.s32 $0xC000, s5;
	s13 =	sadd.s32 $0x10000, s5;
	s20 =	sshrl.u32 s5, $0x3  }
.LBB2_1:
0x10: {  	s21 =	simm.s32 $0x0;
	s22 =	simm.s32 $0x200  }
.LBB2_2:
0x11: {  	p0 =	sne.s32 s22, $0xFE00;
	[tilespmem:s21+$0x5070] =	vst v0  }
0x12: {  	[tilespmem:s21+$0x5000] =	vst v0  }
0x13: {  	[tilespmem:s21+$0x5010] =	vst v0  }
.Ltmp0:
0x14: {  	[tilespmem:s21+$0x5020] =	vst v0;
	(pc) =	sbr.rel @p0 .LBB2_2-.Ltmp0, $4  }
0x15: {  	[tilespmem:s21+$0x5030] =	vst v0  }
0x16: {  	[tilespmem:s21+$0x5040] =	vst v0  }
0x17: {  	[tilespmem:s21+$0x5050] =	vst v0  }
0x18: {  	[tilespmem:s21+$0x5060] =	vst v0;
	s21 =	sshra.s32 s22, $0x2;
	s22 =	sadd.s32 $0x200, s22  }
0x19: {  	[tilespmem:s21+$0x5070] =	vst v0  }
0x1a: {  	[tilespmem:s21+$0x5000] =	vst v0  }
0x1b: {  	[tilespmem:s21+$0x5010] =	vst v0  }
0x1c: {  	[tilespmem:s21+$0x5020] =	vst v0  }
0x1d: {  	[tilespmem:s21+$0x5030] =	vst v0  }
0x1e: {  	[tilespmem:s21+$0x5040] =	vst v0  }
0x1f: {  	[tilespmem:s21+$0x5050] =	vst v0  }
0x20: {  	[tilespmem:s21+$0x5060] =	vst v0  }
0x21: {  	[spmem:s5] =	stream.linear.scatter [tilespmem:s14], [sflag:$0x2], $0x4000, $0x38;
	[tilespmem:$0x1D000] =	vst v63  }
0x22: {  	_ =	swait.ge [sflag:s15], $0x4000  }
0x23: {  	[sflag:s15] =	ssyncset.done $0x0  }
0x24: {  	[sflag:s15] =	ssyncadd.s32 $0xFFFFC000  }
0x25: {  	[spmem:s10] =	stream.linear.scatter [tilespmem:s14], [sflag:$0x2], $0x4000, $0x38;
	[tilespmem:$0x1D000] =	vst v63  }
0x26: {  	_ =	swait.ge [sflag:s15], $0x4000  }
0x27: {  	[sflag:s15] =	ssyncset.done $0x0  }
0x28: {  	[sflag:s15] =	ssyncadd.s32 $0xFFFFC000  }
0x29: {  	[spmem:s11] =	stream.linear.scatter [tilespmem:s14], [sflag:$0x2], $0x4000, $0x38;
	[tilespmem:$0x1D000] =	vst v63  }
0x2a: {  	_ =	swait.ge [sflag:s15], $0x4000  }
0x2b: {  	[sflag:s15] =	ssyncset.done $0x0  }
0x2c: {  	[sflag:s15] =	ssyncadd.s32 $0xFFFFC000  }
0x2d: {  	[spmem:s12] =	stream.linear.scatter [tilespmem:s14], [sflag:$0x2], $0x4000, $0x38;
	[tilespmem:$0x1D000] =	vst v63  }
0x2e: {  	_ =	swait.ge [sflag:s15], $0x4000  }
0x2f: {  	[sflag:s15] =	ssyncset.done $0x0  }
0x30: {  	[sflag:s15] =	ssyncadd.s32 $0xFFFFC000  }
0x31: {  	[spmem:s13] =	stream.linear.scatter [tilespmem:s14], [sflag:$0x2], $0x4000, $0x38;
	[tilespmem:$0x1D000] =	vst v63  }
0x32: {  	_ =	swait.ge [sflag:s15], $0x4000  }
0x33: {  	[sflag:s15] =	ssyncset.done $0x0  }
0x34: {  	[sflag:s15] =	ssyncadd.s32 $0xFFFFC000  }
0x35: {  	s29 =	simm.s32 $0x0;
	[bflag:$0x0] =	sbarrier.arrive $0xFFFF  }
0x36: {  	[tilespmem:s29], [sflag:$0x2] =	stream.linear.gather [hbm4b:s6+s29], $0x2780, $0x38;
	[tilespmem:$0x1D000] =	vst v63  }
0x37: {  	_ =	swait.ge [sflag:s15], $0x2780  }
0x38: {  	[sflag:s15] =	ssyncset.done $0x0  }
0x39: {  	[sflag:s15] =	ssyncadd.s32 $0xFFFFD880  }
0x3a: {  	[tilespmem:s16], [sflag:$0x2] =	stream.linear.gather [hbm4b:s7+s29], $0x2780, $0x38;
	[tilespmem:$0x1D000] =	vst v63  }
0x3b: {  	_ =	swait.ge [sflag:s15], $0x2780  }
0x3c: {  	[sflag:s15] =	ssyncset.done $0x0  }
0x3d: {  	s30 =	simm.s32 $0x0;
	[sflag:s15] =	ssyncadd.s32 $0xFFFFD880  }
0x3e: {  	[tilespmem:s14], [sflag:$0x1] =	stream.indirect.gather [hbm4b:s4+s17], $0x80, s30, s17, $0xb8;
	[tilespmem:$0x1D000] =	vst v63  }
0x3f: {  	_ =	swait.ge [sflag:s18], $0x4000  }
0x40: {  	[sflag:s18] =	ssyncset.done $0x0  }
0x41: {  	s31 =	simm.s32 $0x2800;
	[sflag:s18] =	ssyncadd.s32 $0xFFFFC000  }
0x42: {  	[spmem:s1] =	stream.indirect.scatter.add.f32 [tilespmem:s14], [sflag:$0x2], $0x80, s31, s17, $0xb8;
	[tilespmem:$0x1D000] =	vst v63  }
0x43: {  	_ =	swait.ge [sflag:s15], $0x4000  }
0x44: {  	s21 =	simm.s32 $0x200;
	s22 =	simm.s32 $0x400;
	[sflag:s15] =	ssyncset.done $0x0  }
.LBB2_4:
0x45: {  	s23 =	sshra.s32 s21, $0x2  }
0x46: {  	[sflag:s15] =	ssyncadd.s32 $0xFFFFC000;
	s21 =	smov.u32 s22;
	s24 =	sadd.s32 $0x200, s22  }
0x47: {  	[tilespmem:s14], [sflag:$0x1] =	stream.indirect.gather [hbm4b:s4+s17], $0x80, s23, s17, $0xb8;
	[tilespmem:$0x1D000] =	vst v63  }
0x48: {  	p0 =	sne.s32 s22, $0x9C00;
	_ =	swait.ge [sflag:s18], $0x4000  }
.Ltmp1:
0x49: {  	[sflag:s18] =	ssyncset.done $0x0;
	(pc) =	sbr.rel @p0 .LBB2_4-.Ltmp1, $4  }
0x4a: {  	s22 =	sadd.s32 $0x2800, s23;
	[sflag:s18] =	ssyncadd.s32 $0xFFFFC000  }
0x4b: {  	[spmem:s1] =	stream.indirect.scatter.add.f32 [tilespmem:s14], [sflag:$0x2], $0x80, s22, s17, $0xb8;
	[tilespmem:$0x1D000] =	vst v63  }
0x4c: {  	_ =	swait.ge [sflag:s15], $0x4000  }
0x4d: {  	s22 =	smov.u32 s24;
	[sflag:s15] =	ssyncset.done $0x0  }
0x4e: {  	s21 =	sshra.s32 s21, $0x2;
	[sflag:s15] =	ssyncadd.s32 $0xFFFFC000  }
0x4f: {  	[tilespmem:s14], [sflag:$0x1] =	stream.indirect.gather [hbm4b:s4+s17], $0x80, s21, s17, $0xb8;
	[tilespmem:$0x1D000] =	vst v63  }
0x50: {  	_ =	swait.ge [sflag:s18], $0x4000  }
0x51: {  	[sflag:s18] =	ssyncset.done $0x0  }
0x52: {  	s21 =	sadd.s32 $0x2800, s21;
	[sflag:s18] =	ssyncadd.s32 $0xFFFFC000  }
0x53: {  	[spmem:s1] =	stream.indirect.scatter.add.f32 [tilespmem:s14], [sflag:$0x2], $0x80, s21, s17, $0xb8;
	[tilespmem:$0x1D000] =	vst v63  }
0x54: {  	_ =	swait.ge [sflag:s15], $0x4000  }
0x55: {  	s3 =	sadd.s32 $0x1, s3;
	[sflag:s15] =	ssyncset.done $0x0  }
0x56: {  	p0 =	sne.s32 s3, s9;
	[sflag:s15] =	ssyncadd.s32 $0xFFFFC000  }
.Ltmp2:
0x57: {  	[bflag:$0x0] =	sbarrier.arrive $0xFFFF;
	(pc) =	sbr.rel @p0 .LBB2_1-.Ltmp2, $4  }
0x58: {  	[hbm:s8], [sflag:s19] =	dma.local [spmem:s20], $0x2800  }
0x59: {  	_ =	swait.ge [sflag:s15], $0x2800  }
0x5a: {  	[sflag:s15] =	ssyncset.done $0x0  }
0x5b: {  	[sflag:s15] =	ssyncadd.s32 $0xFFFFD800  }
0x5c: {  	_ =	sfence.sel $0x180000  }
0x5d: {  	[bflag:$0x0] =	sbarrier.arrive $0xFFFF  }
0x5e: {  	p0 =	sne.s32 s2, $0x0;
	_ =	strace $0x9000004A  }
0x5f: {  	s0 =	sadd.s32 @!p0 $0x100000, s0;
	[bflag:$0x2] =	sbarrier.arrive $0xFFFF  }
0x60: {  	[sflag:s0] =	ssyncadd.tile.s32 @!p0 $0x1;
	_ =	shalt  }
.Lfunc_end2:
_tile_overlayer_lowered:
.L_overlay_start_2:
0x61: {  	(tag) =	ssettag $0x2  }
0x62: {  	s0 =	rddreg [dreg:$0x0];
	s2 =	stileid.u32  }
0x63: {  	s1 =	rddreg [dreg:$0x1];
	p0 =	sne.s32 s2, $0x0  }
0x64: {  	s3 =	rddreg [dreg:$0x2];
	[bflag:$0x3] =	sbarrier.arrive $0xFFFF;
	s2 =	simm.s32 @!p0 $0x1C02  }
0x65: {  	[timem:s3], [sflag:s2] =	dma.local @!p0 [hbm:s0], s1  }
0x66: {  	s0 =	simm.s32 @!p0 $0x2  }
0x67: {  	_ =	swait.ge @!p0 [sflag:s0], s1  }
0x68: {  	s1 =	ssub.s32 @!p0 $0x0, s1;
	[sflag:s0] =	ssyncset.done @!p0 $0x0  }
0x69: {  	[sflag:s0] =	ssyncadd.s32 @!p0 s1  }
0x6a: {  	[bflag:$0x3] =	sbarrier.arrive $0xFFFF  }
0x6b: {  	_ =	shalt  }

</sc_bundles>
